<compile_context>
chip_gen: v7x
topology: tpu7x:2x2x1
jax: 0.10.2.dev20260603
libtpu: 0.0.44.dev20260713+nightly
codegen_flags: <defaults>
</compile_context>

<pallas_src>
import functools

import jax
import jax.numpy as jnp
from jax import lax
from jax.experimental import pallas as pl
from jax.experimental.pallas import tpu as pltpu
from jax.experimental.pallas import tpu_sc as plsc

_B, _L, _D, _BINS = 64, 2048, 512, 100
_D2 = _D // 2
_N = _B * _L
_S = 1
_NSL = _N // _S
_T = 4096
_BPS = _NSL // _T
_NW = 32
_RPW = _NSL // _NW
_CH = 64
_NCH = _RPW // _CH
_NB = 4
_NWAVE = _NCH // _NB


def _pack_table(gene_table):
    t16 = gene_table.astype(jnp.bfloat16)
    lo = lax.bitcast_convert_type(t16[:, :_D2], jnp.uint16).astype(jnp.uint32)
    hi = lax.bitcast_convert_type(t16[:, _D2:], jnp.uint16).astype(jnp.uint32)
    return lax.bitcast_convert_type(lo | (hi << 16), jnp.float32)


def _sc_gather(table_packed, ids3):
    mesh = plsc.VectorSubcoreMesh(core_axis_name="c", subcore_axis_name="s")

    @functools.partial(
        pl.kernel,
        out_type=jax.ShapeDtypeStruct((_NW, _NCH, _CH, _D2), jnp.float32),
        mesh=mesh,
        scratch_types=[
            pltpu.VMEM((_NCH, _CH), jnp.int32),
        ] + [pltpu.VMEM((_CH, _D2), jnp.float32) for _ in range(_NB)]
          + [pltpu.SemaphoreType.DMA for _ in range(2 * _NB)],
    )
    def gather(table_hbm, idx_hbm, out_hbm, idx_v, *scratch):
        bufs = scratch[:_NB]
        gsems = scratch[_NB:2 * _NB]
        ssems = scratch[2 * _NB:]
        wid = lax.axis_index("s") * 2 + lax.axis_index("c")
        pltpu.sync_copy(idx_hbm.at[wid], idx_v)

        for b in range(_NB):
            pltpu.async_copy(table_hbm.at[idx_v.at[b]], bufs[b], gsems[b])

        def wave(g, carry):
            for b in range(_NB):
                c = g * _NB + b
                pltpu.make_async_copy(
                    table_hbm.at[idx_v.at[c]], bufs[b], gsems[b]).wait()
                pltpu.async_copy(bufs[b], out_hbm.at[wid, c], ssems[b])
            for b in range(_NB):
                c = g * _NB + b
                pltpu.make_async_copy(
                    bufs[b], out_hbm.at[wid, c], ssems[b]).wait()
                pltpu.async_copy(
                    table_hbm.at[idx_v.at[c + _NB]], bufs[b], gsems[b])
            return carry

        lax.fori_loop(0, _NWAVE - 1, wave, 0)

        g_last = _NWAVE - 1
        for b in range(_NB):
            c = g_last * _NB + b
            pltpu.make_async_copy(
                table_hbm.at[idx_v.at[c]], bufs[b], gsems[b]).wait()
            pltpu.async_copy(bufs[b], out_hbm.at[wid, c], ssems[b])
        for b in range(_NB):
            c = g_last * _NB + b
            pltpu.make_async_copy(
                bufs[b], out_hbm.at[wid, c], ssems[b]).wait()

    return gather(table_packed, ids3)


def _dense_core(expr_ref, gene_ref, w1_ref, b1_ref, w2_ref,
                b2_ref, bt_ref, pad_ref, out_ref):
    x = expr_ref[...].reshape(_T, 1)
    v1 = x * w1_ref[...] + b1_ref[...]
    v2 = jnp.where(v1 >= 0, v1, 0.1 * v1)
    v3 = v2 + jnp.dot(v2, w2_ref[...],
                      preferred_element_type=jnp.float32) + b2_ref[...]
    m = jnp.max(v3, axis=-1, keepdims=True)
    e = jnp.exp(v3 - m)
    w = e / jnp.sum(e, axis=-1, keepdims=True)
    expr_emb = jnp.dot(w.astype(jnp.bfloat16),
                       bt_ref[...].astype(jnp.bfloat16),
                       preferred_element_type=jnp.float32)
    pad_vec = pad_ref[...].astype(jnp.bfloat16).astype(jnp.float32)
    sel = x != x
    u = lax.bitcast_convert_type(gene_ref[...], jnp.uint32)
    g_lo = lax.bitcast_convert_type(u << 16, jnp.float32)
    g_hi = lax.bitcast_convert_type(u & jnp.uint32(0xFFFF0000),
                                    jnp.float32)
    gene = jnp.concatenate([g_lo, g_hi], axis=1)
    out_ref[...] = gene + jnp.where(sel, pad_vec, expr_emb)


def _dense_slice(s, prev, xm, gene_s, W1, b1r, W2, b2r,
                 bin_table, pad_table):

    if prev is None:
        def body(*refs):
            _dense_core(*refs)
        extra_specs, extra_args, io_alias = [], [], {}
    else:
        def body(prev_ref, *refs):
            del prev_ref
            _dense_core(*refs)
        extra_specs = [pl.BlockSpec(memory_space=pl.ANY)]
        extra_args = [prev]
        io_alias = {0: 0}

    in_specs = extra_specs + [
        pl.BlockSpec((1, 1, _T), lambda i, s=s: (s * _BPS + i, 0, 0)),
        pl.BlockSpec((_T, _D2), lambda i: (i, 0)),
        pl.BlockSpec((1, _BINS), lambda i: (0, 0)),
        pl.BlockSpec((1, _BINS), lambda i: (0, 0)),
        pl.BlockSpec((_BINS, _BINS), lambda i: (0, 0)),
        pl.BlockSpec((1, _BINS), lambda i: (0, 0)),
        pl.BlockSpec((_BINS, _D), lambda i: (0, 0)),
        pl.BlockSpec((1, _D), lambda i: (0, 0)),
    ]
    return pl.pallas_call(
        body,
        grid=(_BPS,),
        in_specs=in_specs,
        out_specs=pl.BlockSpec((_T, _D), lambda i, s=s: (s * _BPS + i, 0)),
        out_shape=jax.ShapeDtypeStruct((_N, _D), jnp.float32),
        input_output_aliases=io_alias,
    )(*extra_args, xm, gene_s, W1, b1r, W2, b2r,
      bin_table, pad_table)


def kernel(expression, gene_ids, encoder_pad_mask, gene_table,
           W1, b1, W2, b2, bin_table, pad_table):
    ids = gene_ids.astype(jnp.int32).reshape(_S, _NW, _NCH, _CH)
    table_packed = _pack_table(gene_table)
    gene_slices = [
        _sc_gather(table_packed, ids[s]).reshape(_NSL, _D2)
        for s in range(_S)
    ]
    xm = jnp.where(encoder_pad_mask, jnp.float32(jnp.nan),
                   expression).reshape(_N // _T, 1, _T)
    b1r = b1.reshape(1, _BINS)
    b2r = b2.reshape(1, _BINS)
    out = None
    for s in range(_S):
        out = _dense_slice(s, out, xm, gene_slices[s],
                           W1, b1r, W2, b2r, bin_table, pad_table)
    return out.reshape(_B, _L, _D)

# --- scband reference (transcript-rebuilt; emitter-appended) ---
"""Pipeline reference for scband-embedding-module-66443144069354 (READ-ONLY COPY).

The authoritative reference and input builder live on the scoring server;
editing this copy changes nothing except your own understanding.
"""

import jax, jax.numpy as jnp
import numpy as np

B, L, D, BINS, V = 64, 2048, 512, 100, 19265
BIN_ALPHA = 1.0

def setup_inputs(seed: int = 0) -> dict:
    key = jax.random.key(seed)
    ks = jax.random.split(key, 10)
    expression = jax.random.uniform(ks[0], (B, L), dtype=jnp.float32) * 10.0
    gene_ids = jax.random.randint(ks[1], (B, L), 0, V)
    encoder_pad_mask = jax.random.randint(ks[2], (B, L), 0, 2).astype(bool)
    gene_table = jax.random.normal(ks[3], (V, D), dtype=jnp.float32) * 0.02
    gene_table = gene_table.at[0].set(0.0)  # padding_idx=0
    W1 = jax.random.normal(ks[4], (1, BINS), dtype=jnp.float32) * 0.02
    b1 = jnp.zeros((BINS,), dtype=jnp.float32)
    W2 = jax.random.normal(ks[5], (BINS, BINS), dtype=jnp.float32) * 0.02
    b2 = jnp.zeros((BINS,), dtype=jnp.float32)
    bin_table = jax.random.normal(ks[6], (BINS, D), dtype=jnp.float32) * 0.02
    pad_table = jax.random.normal(ks[7], (1, D), dtype=jnp.float32) * 0.02
    return {"expression": expression, "gene_ids": gene_ids, "encoder_pad_mask": encoder_pad_mask,
            "gene_table": gene_table, "W1": W1, "b1": b1, "W2": W2, "b2": b2,
            "bin_table": bin_table, "pad_table": pad_table}

def reference(expression, gene_ids, encoder_pad_mask, gene_table, W1, b1, W2, b2, bin_table, pad_table):
    # ExpressionAutoDiscretization.get_bin_weights
    x = expression[..., None]                      # (B, L, 1)
    v1 = x @ W1 + b1                               # (B, L, BINS)
    v2 = jax.nn.leaky_relu(v1, negative_slope=0.1)
    v3 = BIN_ALPHA * v2 + (v2 @ W2 + b2)
    w = jax.nn.softmax(v3, axis=-1)
    expr_emb = w @ bin_table                       # (B, L, D) = weights @ emb(bin_num_idx)
    # pad_mask overwrite with emb_pad(0) cast through bf16 (mixed_precision=True)
    pad_vec = pad_table[0].astype(jnp.bfloat16).astype(jnp.float32)
    expr_emb = jnp.where(encoder_pad_mask[..., None], pad_vec, expr_emb)
    # encoder mode: gene_emb(gene_ids) + expr_emb
    gene_emb = jnp.take(gene_table, gene_ids, axis=0)
    return gene_emb + expr_emb

if __name__ == "__main__":
    import jax
    _d = setup_inputs()
    print(jax.jit(kernel)(*tuple(_d.values())))

</pallas_src>

<mosaic_0001>
#map = affine_map<(d0, d1) -> (0, 0)>
#map1 = affine_map<(d0, d1) -> (0, 0, 0)>
#map2 = affine_map<(d0, d1) -> (0, 0, 0, 0)>
module attributes {stable_mosaic.version = 14 : i64} {
  func.func @gather(%arg0: i32, %arg1: i32, %arg2: memref<19265x256xf32, #tpu.memory_space<hbm>>, %arg3: memref<32x64x64xi32, #tpu.memory_space<hbm>>, %arg4: memref<32x64x64x256xf32, #tpu.memory_space<hbm>>, %arg5: memref<64x64xi32, #tpu.memory_space<vmem>>, %arg6: memref<64x256xf32, #tpu.memory_space<vmem>>, %arg7: memref<64x256xf32, #tpu.memory_space<vmem>>, %arg8: memref<64x256xf32, #tpu.memory_space<vmem>>, %arg9: memref<64x256xf32, #tpu.memory_space<vmem>>, %arg10: memref<!tpu.dma_semaphore, #tpu.memory_space<semaphore_mem>>, %arg11: memref<!tpu.dma_semaphore, #tpu.memory_space<semaphore_mem>>, %arg12: memref<!tpu.dma_semaphore, #tpu.memory_space<semaphore_mem>>, %arg13: memref<!tpu.dma_semaphore, #tpu.memory_space<semaphore_mem>>, %arg14: memref<!tpu.dma_semaphore, #tpu.memory_space<semaphore_mem>>, %arg15: memref<!tpu.dma_semaphore, #tpu.memory_space<semaphore_mem>>, %arg16: memref<!tpu.dma_semaphore, #tpu.memory_space<semaphore_mem>>, %arg17: memref<!tpu.dma_semaphore, #tpu.memory_space<semaphore_mem>>) attributes {dimension_semantics = [#tpu.dimension_semantics<core_parallel>, #tpu.dimension_semantics<subcore_parallel>], iteration_bounds = array<i64: 2, 16>, scalar_prefetch = 0 : i64, scratch_operands = 13 : i64, tpu.core_type = #tpu.core_type<sc_vector_subcore>, window_params = [{transform_indices = #map}, {transform_indices = #map1}, {transform_indices = #map2}]} {
    %mul3A = arith.constant 2 : i32
    %mul3A_0 = arith.muli %arg1, %mul3A : i32
    %add3A = arith.addi %mul3A_0, %arg0 : i32
    "tpu.region"() ({
      %run_scoped3A = tpu.sem_alloc : memref<!tpu.dma_semaphore, #tpu.memory_space<semaphore_mem>>
      %dma_start3A_132 = arith.constant 0 : i32
      %dma_start3A_133 = arith.constant 0 : i32
      %dma_start3A_134 = tpu.memref_slice %arg3[%add3A, %dma_start3A_132, %dma_start3A_133] : memref<32x64x64xi32, #tpu.memory_space<hbm>> -> memref<1x64x64xi32, #tpu.memory_space<hbm>>
      %dma_start3A_135 = tpu.memref_squeeze %dma_start3A_134 : memref<1x64x64xi32, #tpu.memory_space<hbm>> -> memref<64x64xi32, #tpu.memory_space<hbm>>
      %dma_start3A_136 = arith.constant 0 : i32
      %dma_start3A_137 = arith.constant 0 : i32
      %dma_start3A_138 = tpu.memref_slice %arg3[%add3A, %dma_start3A_136, %dma_start3A_137] : memref<32x64x64xi32, #tpu.memory_space<hbm>> -> memref<1x64x64xi32, #tpu.memory_space<hbm>>
      %dma_start3A_139 = tpu.memref_squeeze %dma_start3A_138 : memref<1x64x64xi32, #tpu.memory_space<hbm>> -> memref<64x64xi32, #tpu.memory_space<hbm>>
      tpu.enqueue_dma source(%dma_start3A_139 : memref<64x64xi32, #tpu.memory_space<hbm>>) target(%arg5 : memref<64x64xi32, #tpu.memory_space<vmem>>) target_semaphore(%run_scoped3A : memref<!tpu.dma_semaphore, #tpu.memory_space<semaphore_mem>>)
      %dma_wait3A_140 = arith.constant 0 : i32
      %dma_wait3A_141 = arith.constant 0 : i32
      %dma_wait3A_142 = tpu.memref_slice %arg3[%add3A, %dma_wait3A_140, %dma_wait3A_141] : memref<32x64x64xi32, #tpu.memory_space<hbm>> -> memref<1x64x64xi32, #tpu.memory_space<hbm>>
      %dma_wait3A_143 = tpu.memref_squeeze %dma_wait3A_142 : memref<1x64x64xi32, #tpu.memory_space<hbm>> -> memref<64x64xi32, #tpu.memory_space<hbm>>
      %dma_wait3A_144 = arith.constant 0 : i32
      %dma_wait3A_145 = arith.constant 0 : i32
      %dma_wait3A_146 = tpu.memref_slice %arg3[%add3A, %dma_wait3A_144, %dma_wait3A_145] : memref<32x64x64xi32, #tpu.memory_space<hbm>> -> memref<1x64x64xi32, #tpu.memory_space<hbm>>
      %dma_wait3A_147 = tpu.memref_squeeze %dma_wait3A_146 : memref<1x64x64xi32, #tpu.memory_space<hbm>> -> memref<64x64xi32, #tpu.memory_space<hbm>>
      tpu.wait_dma2 semaphore(%run_scoped3A : memref<!tpu.dma_semaphore, #tpu.memory_space<semaphore_mem>>) src(%dma_wait3A_147 : memref<64x64xi32, #tpu.memory_space<hbm>>) dst(%arg5 : memref<64x64xi32, #tpu.memory_space<vmem>>)
      tpu.yield
    }) : () -> ()
    %dma_start3A = arith.constant 0 : i32
    %dma_start3A_1 = arith.constant 0 : i32
    %dma_start3A_2 = tpu.memref_slice %arg5[%dma_start3A, %dma_start3A_1] : memref<64x64xi32, #tpu.memory_space<vmem>> -> memref<1x64xi32, #tpu.memory_space<vmem>>
    %dma_start3A_3 = tpu.memref_squeeze %dma_start3A_2 : memref<1x64xi32, #tpu.memory_space<vmem>> -> memref<64xi32, #tpu.memory_space<vmem>>
    %dma_start3A_4 = arith.constant 0 : i32
    %dma_start3A_5 = arith.constant 0 : i32
    %dma_start3A_6 = tpu.memref_slice %arg2[%dma_start3A_4, %dma_start3A_5] : memref<19265x256xf32, #tpu.memory_space<hbm>> -> memref<19265x256xf32, #tpu.memory_space<hbm>>
    tpu.enqueue_indirect_dma source(%dma_start3A_6 : memref<19265x256xf32, #tpu.memory_space<hbm>>) target(%arg6 : memref<64x256xf32, #tpu.memory_space<vmem>>) offsets(%dma_start3A_3 : memref<64xi32, #tpu.memory_space<vmem>>) semaphore(%arg10 : memref<!tpu.dma_semaphore, #tpu.memory_space<semaphore_mem>>)
    %dma_start3A_7 = arith.constant 1 : i32
    %dma_start3A_8 = arith.constant 0 : i32
    %dma_start3A_9 = tpu.memref_slice %arg5[%dma_start3A_7, %dma_start3A_8] : memref<64x64xi32, #tpu.memory_space<vmem>> -> memref<1x64xi32, #tpu.memory_space<vmem>>
    %dma_start3A_10 = tpu.memref_squeeze %dma_start3A_9 : memref<1x64xi32, #tpu.memory_space<vmem>> -> memref<64xi32, #tpu.memory_space<vmem>>
    %dma_start3A_11 = arith.constant 0 : i32
    %dma_start3A_12 = arith.constant 0 : i32
    %dma_start3A_13 = tpu.memref_slice %arg2[%dma_start3A_11, %dma_start3A_12] : memref<19265x256xf32, #tpu.memory_space<hbm>> -> memref<19265x256xf32, #tpu.memory_space<hbm>>
    tpu.enqueue_indirect_dma source(%dma_start3A_13 : memref<19265x256xf32, #tpu.memory_space<hbm>>) target(%arg7 : memref<64x256xf32, #tpu.memory_space<vmem>>) offsets(%dma_start3A_10 : memref<64xi32, #tpu.memory_space<vmem>>) semaphore(%arg11 : memref<!tpu.dma_semaphore, #tpu.memory_space<semaphore_mem>>)
    %dma_start3A_14 = arith.constant 2 : i32
    %dma_start3A_15 = arith.constant 0 : i32
    %dma_start3A_16 = tpu.memref_slice %arg5[%dma_start3A_14, %dma_start3A_15] : memref<64x64xi32, #tpu.memory_space<vmem>> -> memref<1x64xi32, #tpu.memory_space<vmem>>
    %dma_start3A_17 = tpu.memref_squeeze %dma_start3A_16 : memref<1x64xi32, #tpu.memory_space<vmem>> -> memref<64xi32, #tpu.memory_space<vmem>>
    %dma_start3A_18 = arith.constant 0 : i32
    %dma_start3A_19 = arith.constant 0 : i32
    %dma_start3A_20 = tpu.memref_slice %arg2[%dma_start3A_18, %dma_start3A_19] : memref<19265x256xf32, #tpu.memory_space<hbm>> -> memref<19265x256xf32, #tpu.memory_space<hbm>>
    tpu.enqueue_indirect_dma source(%dma_start3A_20 : memref<19265x256xf32, #tpu.memory_space<hbm>>) target(%arg8 : memref<64x256xf32, #tpu.memory_space<vmem>>) offsets(%dma_start3A_17 : memref<64xi32, #tpu.memory_space<vmem>>) semaphore(%arg12 : memref<!tpu.dma_semaphore, #tpu.memory_space<semaphore_mem>>)
    %dma_start3A_21 = arith.constant 3 : i32
    %dma_start3A_22 = arith.constant 0 : i32
    %dma_start3A_23 = tpu.memref_slice %arg5[%dma_start3A_21, %dma_start3A_22] : memref<64x64xi32, #tpu.memory_space<vmem>> -> memref<1x64xi32, #tpu.memory_space<vmem>>
    %dma_start3A_24 = tpu.memref_squeeze %dma_start3A_23 : memref<1x64xi32, #tpu.memory_space<vmem>> -> memref<64xi32, #tpu.memory_space<vmem>>
    %dma_start3A_25 = arith.constant 0 : i32
    %dma_start3A_26 = arith.constant 0 : i32
    %dma_start3A_27 = tpu.memref_slice %arg2[%dma_start3A_25, %dma_start3A_26] : memref<19265x256xf32, #tpu.memory_space<hbm>> -> memref<19265x256xf32, #tpu.memory_space<hbm>>
    tpu.enqueue_indirect_dma source(%dma_start3A_27 : memref<19265x256xf32, #tpu.memory_space<hbm>>) target(%arg9 : memref<64x256xf32, #tpu.memory_space<vmem>>) offsets(%dma_start3A_24 : memref<64xi32, #tpu.memory_space<vmem>>) semaphore(%arg13 : memref<!tpu.dma_semaphore, #tpu.memory_space<semaphore_mem>>)
    %scan3A = arith.constant 0 : i32
    %scan3A_28 = arith.constant 0 : i32
    %scan3A_29 = arith.constant 15 : i32
    %scan3A_30 = arith.addi %scan3A_28, %scan3A_29 : i32
    %scan3A_31 = arith.constant 1 : i32
    scf.for %scan3A_132 = %scan3A_28 to %scan3A_30 step %scan3A_31  : i32 {
      %mul3A_133 = arith.constant 4 : i32
      %mul3A_134 = arith.muli %scan3A_132, %mul3A_133 : i32
      %add3A_135 = arith.constant 0 : i32
      %add3A_136 = arith.addi %mul3A_134, %add3A_135 : i32
      %dma_wait3A_137 = arith.constant 0 : i32
      %dma_wait3A_138 = tpu.memref_slice %arg5[%add3A_136, %dma_wait3A_137] : memref<64x64xi32, #tpu.memory_space<vmem>> -> memref<1x64xi32, #tpu.memory_space<vmem>>
      %dma_wait3A_139 = tpu.memref_squeeze %dma_wait3A_138 : memref<1x64xi32, #tpu.memory_space<vmem>> -> memref<64xi32, #tpu.memory_space<vmem>>
      %dma_wait3A_140 = arith.constant 0 : i32
      %dma_wait3A_141 = arith.constant 0 : i32
      %dma_wait3A_142 = tpu.memref_slice %arg2[%dma_wait3A_140, %dma_wait3A_141] : memref<19265x256xf32, #tpu.memory_space<hbm>> -> memref<19265x256xf32, #tpu.memory_space<hbm>>
      tpu.wait_indirect_dma semaphore(%arg10 : memref<!tpu.dma_semaphore, #tpu.memory_space<semaphore_mem>>) src(%dma_wait3A_142 : memref<19265x256xf32, #tpu.memory_space<hbm>>) dst(%arg6 : memref<64x256xf32, #tpu.memory_space<vmem>>)
      %dma_start3A_143 = arith.constant 0 : i32
      %dma_start3A_144 = arith.constant 0 : i32
      %dma_start3A_145 = tpu.memref_slice %arg4[%add3A, %add3A_136, %dma_start3A_143, %dma_start3A_144] : memref<32x64x64x256xf32, #tpu.memory_space<hbm>> -> memref<1x1x64x256xf32, #tpu.memory_space<hbm>>
      %dma_start3A_146 = tpu.memref_squeeze %dma_start3A_145 : memref<1x1x64x256xf32, #tpu.memory_space<hbm>> -> memref<64x256xf32, #tpu.memory_space<hbm>>
      %dma_start3A_147 = arith.constant 0 : i32
      %dma_start3A_148 = arith.constant 0 : i32
      %dma_start3A_149 = tpu.memref_slice %arg4[%add3A, %add3A_136, %dma_start3A_147, %dma_start3A_148] : memref<32x64x64x256xf32, #tpu.memory_space<hbm>> -> memref<1x1x64x256xf32, #tpu.memory_space<hbm>>
      %dma_start3A_150 = tpu.memref_squeeze %dma_start3A_149 : memref<1x1x64x256xf32, #tpu.memory_space<hbm>> -> memref<64x256xf32, #tpu.memory_space<hbm>>
      tpu.enqueue_dma source(%arg6 : memref<64x256xf32, #tpu.memory_space<vmem>>) target(%dma_start3A_150 : memref<64x256xf32, #tpu.memory_space<hbm>>) target_semaphore(%arg14 : memref<!tpu.dma_semaphore, #tpu.memory_space<semaphore_mem>>)
      %mul3A_151 = arith.constant 4 : i32
      %mul3A_152 = arith.muli %scan3A_132, %mul3A_151 : i32
      %add3A_153 = arith.constant 1 : i32
      %add3A_154 = arith.addi %mul3A_152, %add3A_153 : i32
      %dma_wait3A_155 = arith.constant 0 : i32
      %dma_wait3A_156 = tpu.memref_slice %arg5[%add3A_154, %dma_wait3A_155] : memref<64x64xi32, #tpu.memory_space<vmem>> -> memref<1x64xi32, #tpu.memory_space<vmem>>
      %dma_wait3A_157 = tpu.memref_squeeze %dma_wait3A_156 : memref<1x64xi32, #tpu.memory_space<vmem>> -> memref<64xi32, #tpu.memory_space<vmem>>
      %dma_wait3A_158 = arith.constant 0 : i32
      %dma_wait3A_159 = arith.constant 0 : i32
      %dma_wait3A_160 = tpu.memref_slice %arg2[%dma_wait3A_158, %dma_wait3A_159] : memref<19265x256xf32, #tpu.memory_space<hbm>> -> memref<19265x256xf32, #tpu.memory_space<hbm>>
      tpu.wait_indirect_dma semaphore(%arg11 : memref<!tpu.dma_semaphore, #tpu.memory_space<semaphore_mem>>) src(%dma_wait3A_160 : memref<19265x256xf32, #tpu.memory_space<hbm>>) dst(%arg7 : memref<64x256xf32, #tpu.memory_space<vmem>>)
      %dma_start3A_161 = arith.constant 0 : i32
      %dma_start3A_162 = arith.constant 0 : i32
      %dma_start3A_163 = tpu.memref_slice %arg4[%add3A, %add3A_154, %dma_start3A_161, %dma_start3A_162] : memref<32x64x64x256xf32, #tpu.memory_space<hbm>> -> memref<1x1x64x256xf32, #tpu.memory_space<hbm>>
      %dma_start3A_164 = tpu.memref_squeeze %dma_start3A_163 : memref<1x1x64x256xf32, #tpu.memory_space<hbm>> -> memref<64x256xf32, #tpu.memory_space<hbm>>
      %dma_start3A_165 = arith.constant 0 : i32
      %dma_start3A_166 = arith.constant 0 : i32
      %dma_start3A_167 = tpu.memref_slice %arg4[%add3A, %add3A_154, %dma_start3A_165, %dma_start3A_166] : memref<32x64x64x256xf32, #tpu.memory_space<hbm>> -> memref<1x1x64x256xf32, #tpu.memory_space<hbm>>
      %dma_start3A_168 = tpu.memref_squeeze %dma_start3A_167 : memref<1x1x64x256xf32, #tpu.memory_space<hbm>> -> memref<64x256xf32, #tpu.memory_space<hbm>>
      tpu.enqueue_dma source(%arg7 : memref<64x256xf32, #tpu.memory_space<vmem>>) target(%dma_start3A_168 : memref<64x256xf32, #tpu.memory_space<hbm>>) target_semaphore(%arg15 : memref<!tpu.dma_semaphore, #tpu.memory_space<semaphore_mem>>)
      %mul3A_169 = arith.constant 4 : i32
      %mul3A_170 = arith.muli %scan3A_132, %mul3A_169 : i32
      %add3A_171 = arith.constant 2 : i32
      %add3A_172 = arith.addi %mul3A_170, %add3A_171 : i32
      %dma_wait3A_173 = arith.constant 0 : i32
      %dma_wait3A_174 = tpu.memref_slice %arg5[%add3A_172, %dma_wait3A_173] : memref<64x64xi32, #tpu.memory_space<vmem>> -> memref<1x64xi32, #tpu.memory_space<vmem>>
      %dma_wait3A_175 = tpu.memref_squeeze %dma_wait3A_174 : memref<1x64xi32, #tpu.memory_space<vmem>> -> memref<64xi32, #tpu.memory_space<vmem>>
      %dma_wait3A_176 = arith.constant 0 : i32
      %dma_wait3A_177 = arith.constant 0 : i32
      %dma_wait3A_178 = tpu.memref_slice %arg2[%dma_wait3A_176, %dma_wait3A_177] : memref<19265x256xf32, #tpu.memory_space<hbm>> -> memref<19265x256xf32, #tpu.memory_space<hbm>>
      tpu.wait_indirect_dma semaphore(%arg12 : memref<!tpu.dma_semaphore, #tpu.memory_space<semaphore_mem>>) src(%dma_wait3A_178 : memref<19265x256xf32, #tpu.memory_space<hbm>>) dst(%arg8 : memref<64x256xf32, #tpu.memory_space<vmem>>)
      %dma_start3A_179 = arith.constant 0 : i32
      %dma_start3A_180 = arith.constant 0 : i32
      %dma_start3A_181 = tpu.memref_slice %arg4[%add3A, %add3A_172, %dma_start3A_179, %dma_start3A_180] : memref<32x64x64x256xf32, #tpu.memory_space<hbm>> -> memref<1x1x64x256xf32, #tpu.memory_space<hbm>>
      %dma_start3A_182 = tpu.memref_squeeze %dma_start3A_181 : memref<1x1x64x256xf32, #tpu.memory_space<hbm>> -> memref<64x256xf32, #tpu.memory_space<hbm>>
      %dma_start3A_183 = arith.constant 0 : i32
      %dma_start3A_184 = arith.constant 0 : i32
      %dma_start3A_185 = tpu.memref_slice %arg4[%add3A, %add3A_172, %dma_start3A_183, %dma_start3A_184] : memref<32x64x64x256xf32, #tpu.memory_space<hbm>> -> memref<1x1x64x256xf32, #tpu.memory_space<hbm>>
      %dma_start3A_186 = tpu.memref_squeeze %dma_start3A_185 : memref<1x1x64x256xf32, #tpu.memory_space<hbm>> -> memref<64x256xf32, #tpu.memory_space<hbm>>
      tpu.enqueue_dma source(%arg8 : memref<64x256xf32, #tpu.memory_space<vmem>>) target(%dma_start3A_186 : memref<64x256xf32, #tpu.memory_space<hbm>>) target_semaphore(%arg16 : memref<!tpu.dma_semaphore, #tpu.memory_space<semaphore_mem>>)
      %mul3A_187 = arith.constant 4 : i32
      %mul3A_188 = arith.muli %scan3A_132, %mul3A_187 : i32
      %add3A_189 = arith.constant 3 : i32
      %add3A_190 = arith.addi %mul3A_188, %add3A_189 : i32
      %dma_wait3A_191 = arith.constant 0 : i32
      %dma_wait3A_192 = tpu.memref_slice %arg5[%add3A_190, %dma_wait3A_191] : memref<64x64xi32, #tpu.memory_space<vmem>> -> memref<1x64xi32, #tpu.memory_space<vmem>>
      %dma_wait3A_193 = tpu.memref_squeeze %dma_wait3A_192 : memref<1x64xi32, #tpu.memory_space<vmem>> -> memref<64xi32, #tpu.memory_space<vmem>>
      %dma_wait3A_194 = arith.constant 0 : i32
      %dma_wait3A_195 = arith.constant 0 : i32
      %dma_wait3A_196 = tpu.memref_slice %arg2[%dma_wait3A_194, %dma_wait3A_195] : memref<19265x256xf32, #tpu.memory_space<hbm>> -> memref<19265x256xf32, #tpu.memory_space<hbm>>
      tpu.wait_indirect_dma semaphore(%arg13 : memref<!tpu.dma_semaphore, #tpu.memory_space<semaphore_mem>>) src(%dma_wait3A_196 : memref<19265x256xf32, #tpu.memory_space<hbm>>) dst(%arg9 : memref<64x256xf32, #tpu.memory_space<vmem>>)
      %dma_start3A_197 = arith.constant 0 : i32
      %dma_start3A_198 = arith.constant 0 : i32
      %dma_start3A_199 = tpu.memref_slice %arg4[%add3A, %add3A_190, %dma_start3A_197, %dma_start3A_198] : memref<32x64x64x256xf32, #tpu.memory_space<hbm>> -> memref<1x1x64x256xf32, #tpu.memory_space<hbm>>
      %dma_start3A_200 = tpu.memref_squeeze %dma_start3A_199 : memref<1x1x64x256xf32, #tpu.memory_space<hbm>> -> memref<64x256xf32, #tpu.memory_space<hbm>>
      %dma_start3A_201 = arith.constant 0 : i32
      %dma_start3A_202 = arith.constant 0 : i32
      %dma_start3A_203 = tpu.memref_slice %arg4[%add3A, %add3A_190, %dma_start3A_201, %dma_start3A_202] : memref<32x64x64x256xf32, #tpu.memory_space<hbm>> -> memref<1x1x64x256xf32, #tpu.memory_space<hbm>>
      %dma_start3A_204 = tpu.memref_squeeze %dma_start3A_203 : memref<1x1x64x256xf32, #tpu.memory_space<hbm>> -> memref<64x256xf32, #tpu.memory_space<hbm>>
      tpu.enqueue_dma source(%arg9 : memref<64x256xf32, #tpu.memory_space<vmem>>) target(%dma_start3A_204 : memref<64x256xf32, #tpu.memory_space<hbm>>) target_semaphore(%arg17 : memref<!tpu.dma_semaphore, #tpu.memory_space<semaphore_mem>>)
      %mul3A_205 = arith.constant 4 : i32
      %mul3A_206 = arith.muli %scan3A_132, %mul3A_205 : i32
      %add3A_207 = arith.constant 0 : i32
      %add3A_208 = arith.addi %mul3A_206, %add3A_207 : i32
      %dma_wait3A_209 = arith.constant 0 : i32
      %dma_wait3A_210 = arith.constant 0 : i32
      %dma_wait3A_211 = tpu.memref_slice %arg4[%add3A, %add3A_208, %dma_wait3A_209, %dma_wait3A_210] : memref<32x64x64x256xf32, #tpu.memory_space<hbm>> -> memref<1x1x64x256xf32, #tpu.memory_space<hbm>>
      %dma_wait3A_212 = tpu.memref_squeeze %dma_wait3A_211 : memref<1x1x64x256xf32, #tpu.memory_space<hbm>> -> memref<64x256xf32, #tpu.memory_space<hbm>>
      %dma_wait3A_213 = arith.constant 0 : i32
      %dma_wait3A_214 = arith.constant 0 : i32
      %dma_wait3A_215 = tpu.memref_slice %arg4[%add3A, %add3A_208, %dma_wait3A_213, %dma_wait3A_214] : memref<32x64x64x256xf32, #tpu.memory_space<hbm>> -> memref<1x1x64x256xf32, #tpu.memory_space<hbm>>
      %dma_wait3A_216 = tpu.memref_squeeze %dma_wait3A_215 : memref<1x1x64x256xf32, #tpu.memory_space<hbm>> -> memref<64x256xf32, #tpu.memory_space<hbm>>
      tpu.wait_dma2 semaphore(%arg14 : memref<!tpu.dma_semaphore, #tpu.memory_space<semaphore_mem>>) src(%arg6 : memref<64x256xf32, #tpu.memory_space<vmem>>) dst(%dma_wait3A_216 : memref<64x256xf32, #tpu.memory_space<hbm>>)
      %add3A_217 = arith.constant 4 : i32
      %add3A_218 = arith.addi %add3A_208, %add3A_217 : i32
      %dma_start3A_219 = arith.constant 0 : i32
      %dma_start3A_220 = tpu.memref_slice %arg5[%add3A_218, %dma_start3A_219] : memref<64x64xi32, #tpu.memory_space<vmem>> -> memref<1x64xi32, #tpu.memory_space<vmem>>
      %dma_start3A_221 = tpu.memref_squeeze %dma_start3A_220 : memref<1x64xi32, #tpu.memory_space<vmem>> -> memref<64xi32, #tpu.memory_space<vmem>>
      %dma_start3A_222 = arith.constant 0 : i32
      %dma_start3A_223 = arith.constant 0 : i32
      %dma_start3A_224 = tpu.memref_slice %arg2[%dma_start3A_222, %dma_start3A_223] : memref<19265x256xf32, #tpu.memory_space<hbm>> -> memref<19265x256xf32, #tpu.memory_space<hbm>>
      tpu.enqueue_indirect_dma source(%dma_start3A_224 : memref<19265x256xf32, #tpu.memory_space<hbm>>) target(%arg6 : memref<64x256xf32, #tpu.memory_space<vmem>>) offsets(%dma_start3A_221 : memref<64xi32, #tpu.memory_space<vmem>>) semaphore(%arg10 : memref<!tpu.dma_semaphore, #tpu.memory_space<semaphore_mem>>)
      %mul3A_225 = arith.constant 4 : i32
      %mul3A_226 = arith.muli %scan3A_132, %mul3A_225 : i32
      %add3A_227 = arith.constant 1 : i32
      %add3A_228 = arith.addi %mul3A_226, %add3A_227 : i32
      %dma_wait3A_229 = arith.constant 0 : i32
      %dma_wait3A_230 = arith.constant 0 : i32
      %dma_wait3A_231 = tpu.memref_slice %arg4[%add3A, %add3A_228, %dma_wait3A_229, %dma_wait3A_230] : memref<32x64x64x256xf32, #tpu.memory_space<hbm>> -> memref<1x1x64x256xf32, #tpu.memory_space<hbm>>
      %dma_wait3A_232 = tpu.memref_squeeze %dma_wait3A_231 : memref<1x1x64x256xf32, #tpu.memory_space<hbm>> -> memref<64x256xf32, #tpu.memory_space<hbm>>
      %dma_wait3A_233 = arith.constant 0 : i32
      %dma_wait3A_234 = arith.constant 0 : i32
      %dma_wait3A_235 = tpu.memref_slice %arg4[%add3A, %add3A_228, %dma_wait3A_233, %dma_wait3A_234] : memref<32x64x64x256xf32, #tpu.memory_space<hbm>> -> memref<1x1x64x256xf32, #tpu.memory_space<hbm>>
      %dma_wait3A_236 = tpu.memref_squeeze %dma_wait3A_235 : memref<1x1x64x256xf32, #tpu.memory_space<hbm>> -> memref<64x256xf32, #tpu.memory_space<hbm>>
      tpu.wait_dma2 semaphore(%arg15 : memref<!tpu.dma_semaphore, #tpu.memory_space<semaphore_mem>>) src(%arg7 : memref<64x256xf32, #tpu.memory_space<vmem>>) dst(%dma_wait3A_236 : memref<64x256xf32, #tpu.memory_space<hbm>>)
      %add3A_237 = arith.constant 4 : i32
      %add3A_238 = arith.addi %add3A_228, %add3A_237 : i32
      %dma_start3A_239 = arith.constant 0 : i32
      %dma_start3A_240 = tpu.memref_slice %arg5[%add3A_238, %dma_start3A_239] : memref<64x64xi32, #tpu.memory_space<vmem>> -> memref<1x64xi32, #tpu.memory_space<vmem>>
      %dma_start3A_241 = tpu.memref_squeeze %dma_start3A_240 : memref<1x64xi32, #tpu.memory_space<vmem>> -> memref<64xi32, #tpu.memory_space<vmem>>
      %dma_start3A_242 = arith.constant 0 : i32
      %dma_start3A_243 = arith.constant 0 : i32
      %dma_start3A_244 = tpu.memref_slice %arg2[%dma_start3A_242, %dma_start3A_243] : memref<19265x256xf32, #tpu.memory_space<hbm>> -> memref<19265x256xf32, #tpu.memory_space<hbm>>
      tpu.enqueue_indirect_dma source(%dma_start3A_244 : memref<19265x256xf32, #tpu.memory_space<hbm>>) target(%arg7 : memref<64x256xf32, #tpu.memory_space<vmem>>) offsets(%dma_start3A_241 : memref<64xi32, #tpu.memory_space<vmem>>) semaphore(%arg11 : memref<!tpu.dma_semaphore, #tpu.memory_space<semaphore_mem>>)
      %mul3A_245 = arith.constant 4 : i32
      %mul3A_246 = arith.muli %scan3A_132, %mul3A_245 : i32
      %add3A_247 = arith.constant 2 : i32
      %add3A_248 = arith.addi %mul3A_246, %add3A_247 : i32
      %dma_wait3A_249 = arith.constant 0 : i32
      %dma_wait3A_250 = arith.constant 0 : i32
      %dma_wait3A_251 = tpu.memref_slice %arg4[%add3A, %add3A_248, %dma_wait3A_249, %dma_wait3A_250] : memref<32x64x64x256xf32, #tpu.memory_space<hbm>> -> memref<1x1x64x256xf32, #tpu.memory_space<hbm>>
      %dma_wait3A_252 = tpu.memref_squeeze %dma_wait3A_251 : memref<1x1x64x256xf32, #tpu.memory_space<hbm>> -> memref<64x256xf32, #tpu.memory_space<hbm>>
      %dma_wait3A_253 = arith.constant 0 : i32
      %dma_wait3A_254 = arith.constant 0 : i32
      %dma_wait3A_255 = tpu.memref_slice %arg4[%add3A, %add3A_248, %dma_wait3A_253, %dma_wait3A_254] : memref<32x64x64x256xf32, #tpu.memory_space<hbm>> -> memref<1x1x64x256xf32, #tpu.memory_space<hbm>>
      %dma_wait3A_256 = tpu.memref_squeeze %dma_wait3A_255 : memref<1x1x64x256xf32, #tpu.memory_space<hbm>> -> memref<64x256xf32, #tpu.memory_space<hbm>>
      tpu.wait_dma2 semaphore(%arg16 : memref<!tpu.dma_semaphore, #tpu.memory_space<semaphore_mem>>) src(%arg8 : memref<64x256xf32, #tpu.memory_space<vmem>>) dst(%dma_wait3A_256 : memref<64x256xf32, #tpu.memory_space<hbm>>)
      %add3A_257 = arith.constant 4 : i32
      %add3A_258 = arith.addi %add3A_248, %add3A_257 : i32
      %dma_start3A_259 = arith.constant 0 : i32
      %dma_start3A_260 = tpu.memref_slice %arg5[%add3A_258, %dma_start3A_259] : memref<64x64xi32, #tpu.memory_space<vmem>> -> memref<1x64xi32, #tpu.memory_space<vmem>>
      %dma_start3A_261 = tpu.memref_squeeze %dma_start3A_260 : memref<1x64xi32, #tpu.memory_space<vmem>> -> memref<64xi32, #tpu.memory_space<vmem>>
      %dma_start3A_262 = arith.constant 0 : i32
      %dma_start3A_263 = arith.constant 0 : i32
      %dma_start3A_264 = tpu.memref_slice %arg2[%dma_start3A_262, %dma_start3A_263] : memref<19265x256xf32, #tpu.memory_space<hbm>> -> memref<19265x256xf32, #tpu.memory_space<hbm>>
      tpu.enqueue_indirect_dma source(%dma_start3A_264 : memref<19265x256xf32, #tpu.memory_space<hbm>>) target(%arg8 : memref<64x256xf32, #tpu.memory_space<vmem>>) offsets(%dma_start3A_261 : memref<64xi32, #tpu.memory_space<vmem>>) semaphore(%arg12 : memref<!tpu.dma_semaphore, #tpu.memory_space<semaphore_mem>>)
      %mul3A_265 = arith.constant 4 : i32
      %mul3A_266 = arith.muli %scan3A_132, %mul3A_265 : i32
      %add3A_267 = arith.constant 3 : i32
      %add3A_268 = arith.addi %mul3A_266, %add3A_267 : i32
      %dma_wait3A_269 = arith.constant 0 : i32
      %dma_wait3A_270 = arith.constant 0 : i32
      %dma_wait3A_271 = tpu.memref_slice %arg4[%add3A, %add3A_268, %dma_wait3A_269, %dma_wait3A_270] : memref<32x64x64x256xf32, #tpu.memory_space<hbm>> -> memref<1x1x64x256xf32, #tpu.memory_space<hbm>>
      %dma_wait3A_272 = tpu.memref_squeeze %dma_wait3A_271 : memref<1x1x64x256xf32, #tpu.memory_space<hbm>> -> memref<64x256xf32, #tpu.memory_space<hbm>>
      %dma_wait3A_273 = arith.constant 0 : i32
      %dma_wait3A_274 = arith.constant 0 : i32
      %dma_wait3A_275 = tpu.memref_slice %arg4[%add3A, %add3A_268, %dma_wait3A_273, %dma_wait3A_274] : memref<32x64x64x256xf32, #tpu.memory_space<hbm>> -> memref<1x1x64x256xf32, #tpu.memory_space<hbm>>
      %dma_wait3A_276 = tpu.memref_squeeze %dma_wait3A_275 : memref<1x1x64x256xf32, #tpu.memory_space<hbm>> -> memref<64x256xf32, #tpu.memory_space<hbm>>
      tpu.wait_dma2 semaphore(%arg17 : memref<!tpu.dma_semaphore, #tpu.memory_space<semaphore_mem>>) src(%arg9 : memref<64x256xf32, #tpu.memory_space<vmem>>) dst(%dma_wait3A_276 : memref<64x256xf32, #tpu.memory_space<hbm>>)
      %add3A_277 = arith.constant 4 : i32
      %add3A_278 = arith.addi %add3A_268, %add3A_277 : i32
      %dma_start3A_279 = arith.constant 0 : i32
      %dma_start3A_280 = tpu.memref_slice %arg5[%add3A_278, %dma_start3A_279] : memref<64x64xi32, #tpu.memory_space<vmem>> -> memref<1x64xi32, #tpu.memory_space<vmem>>
      %dma_start3A_281 = tpu.memref_squeeze %dma_start3A_280 : memref<1x64xi32, #tpu.memory_space<vmem>> -> memref<64xi32, #tpu.memory_space<vmem>>
      %dma_start3A_282 = arith.constant 0 : i32
      %dma_start3A_283 = arith.constant 0 : i32
      %dma_start3A_284 = tpu.memref_slice %arg2[%dma_start3A_282, %dma_start3A_283] : memref<19265x256xf32, #tpu.memory_space<hbm>> -> memref<19265x256xf32, #tpu.memory_space<hbm>>
      tpu.enqueue_indirect_dma source(%dma_start3A_284 : memref<19265x256xf32, #tpu.memory_space<hbm>>) target(%arg9 : memref<64x256xf32, #tpu.memory_space<vmem>>) offsets(%dma_start3A_281 : memref<64xi32, #tpu.memory_space<vmem>>) semaphore(%arg13 : memref<!tpu.dma_semaphore, #tpu.memory_space<semaphore_mem>>)
    }
    %scan3A_32 = arith.constant 15 : i32
    %dma_wait3A = arith.constant 60 : i32
    %dma_wait3A_33 = arith.constant 0 : i32
    %dma_wait3A_34 = tpu.memref_slice %arg5[%dma_wait3A, %dma_wait3A_33] : memref<64x64xi32, #tpu.memory_space<vmem>> -> memref<1x64xi32, #tpu.memory_space<vmem>>
    %dma_wait3A_35 = tpu.memref_squeeze %dma_wait3A_34 : memref<1x64xi32, #tpu.memory_space<vmem>> -> memref<64xi32, #tpu.memory_space<vmem>>
    %dma_wait3A_36 = arith.constant 0 : i32
    %dma_wait3A_37 = arith.constant 0 : i32
    %dma_wait3A_38 = tpu.memref_slice %arg2[%dma_wait3A_36, %dma_wait3A_37] : memref<19265x256xf32, #tpu.memory_space<hbm>> -> memref<19265x256xf32, #tpu.memory_space<hbm>>
    tpu.wait_indirect_dma semaphore(%arg10 : memref<!tpu.dma_semaphore, #tpu.memory_space<semaphore_mem>>) src(%dma_wait3A_38 : memref<19265x256xf32, #tpu.memory_space<hbm>>) dst(%arg6 : memref<64x256xf32, #tpu.memory_space<vmem>>)
    %dma_start3A_39 = arith.constant 60 : i32
    %dma_start3A_40 = arith.constant 0 : i32
    %dma_start3A_41 = arith.constant 0 : i32
    %dma_start3A_42 = tpu.memref_slice %arg4[%add3A, %dma_start3A_39, %dma_start3A_40, %dma_start3A_41] : memref<32x64x64x256xf32, #tpu.memory_space<hbm>> -> memref<1x1x64x256xf32, #tpu.memory_space<hbm>>
    %dma_start3A_43 = tpu.memref_squeeze %dma_start3A_42 : memref<1x1x64x256xf32, #tpu.memory_space<hbm>> -> memref<64x256xf32, #tpu.memory_space<hbm>>
    %dma_start3A_44 = arith.constant 0 : i32
    %dma_start3A_45 = arith.constant 0 : i32
    %dma_start3A_46 = tpu.memref_slice %arg4[%add3A, %dma_start3A_39, %dma_start3A_44, %dma_start3A_45] : memref<32x64x64x256xf32, #tpu.memory_space<hbm>> -> memref<1x1x64x256xf32, #tpu.memory_space<hbm>>
    %dma_start3A_47 = tpu.memref_squeeze %dma_start3A_46 : memref<1x1x64x256xf32, #tpu.memory_space<hbm>> -> memref<64x256xf32, #tpu.memory_space<hbm>>
    tpu.enqueue_dma source(%arg6 : memref<64x256xf32, #tpu.memory_space<vmem>>) target(%dma_start3A_47 : memref<64x256xf32, #tpu.memory_space<hbm>>) target_semaphore(%arg14 : memref<!tpu.dma_semaphore, #tpu.memory_space<semaphore_mem>>)
    %dma_wait3A_48 = arith.constant 61 : i32
    %dma_wait3A_49 = arith.constant 0 : i32
    %dma_wait3A_50 = tpu.memref_slice %arg5[%dma_wait3A_48, %dma_wait3A_49] : memref<64x64xi32, #tpu.memory_space<vmem>> -> memref<1x64xi32, #tpu.memory_space<vmem>>
    %dma_wait3A_51 = tpu.memref_squeeze %dma_wait3A_50 : memref<1x64xi32, #tpu.memory_space<vmem>> -> memref<64xi32, #tpu.memory_space<vmem>>
    %dma_wait3A_52 = arith.constant 0 : i32
    %dma_wait3A_53 = arith.constant 0 : i32
    %dma_wait3A_54 = tpu.memref_slice %arg2[%dma_wait3A_52, %dma_wait3A_53] : memref<19265x256xf32, #tpu.memory_space<hbm>> -> memref<19265x256xf32, #tpu.memory_space<hbm>>
    tpu.wait_indirect_dma semaphore(%arg11 : memref<!tpu.dma_semaphore, #tpu.memory_space<semaphore_mem>>) src(%dma_wait3A_54 : memref<19265x256xf32, #tpu.memory_space<hbm>>) dst(%arg7 : memref<64x256xf32, #tpu.memory_space<vmem>>)
    %dma_start3A_55 = arith.constant 61 : i32
    %dma_start3A_56 = arith.constant 0 : i32
    %dma_start3A_57 = arith.constant 0 : i32
    %dma_start3A_58 = tpu.memref_slice %arg4[%add3A, %dma_start3A_55, %dma_start3A_56, %dma_start3A_57] : memref<32x64x64x256xf32, #tpu.memory_space<hbm>> -> memref<1x1x64x256xf32, #tpu.memory_space<hbm>>
    %dma_start3A_59 = tpu.memref_squeeze %dma_start3A_58 : memref<1x1x64x256xf32, #tpu.memory_space<hbm>> -> memref<64x256xf32, #tpu.memory_space<hbm>>
    %dma_start3A_60 = arith.constant 0 : i32
    %dma_start3A_61 = arith.constant 0 : i32
    %dma_start3A_62 = tpu.memref_slice %arg4[%add3A, %dma_start3A_55, %dma_start3A_60, %dma_start3A_61] : memref<32x64x64x256xf32, #tpu.memory_space<hbm>> -> memref<1x1x64x256xf32, #tpu.memory_space<hbm>>
    %dma_start3A_63 = tpu.memref_squeeze %dma_start3A_62 : memref<1x1x64x256xf32, #tpu.memory_space<hbm>> -> memref<64x256xf32, #tpu.memory_space<hbm>>
    tpu.enqueue_dma source(%arg7 : memref<64x256xf32, #tpu.memory_space<vmem>>) target(%dma_start3A_63 : memref<64x256xf32, #tpu.memory_space<hbm>>) target_semaphore(%arg15 : memref<!tpu.dma_semaphore, #tpu.memory_space<semaphore_mem>>)
    %dma_wait3A_64 = arith.constant 62 : i32
    %dma_wait3A_65 = arith.constant 0 : i32
    %dma_wait3A_66 = tpu.memref_slice %arg5[%dma_wait3A_64, %dma_wait3A_65] : memref<64x64xi32, #tpu.memory_space<vmem>> -> memref<1x64xi32, #tpu.memory_space<vmem>>
    %dma_wait3A_67 = tpu.memref_squeeze %dma_wait3A_66 : memref<1x64xi32, #tpu.memory_space<vmem>> -> memref<64xi32, #tpu.memory_space<vmem>>
    %dma_wait3A_68 = arith.constant 0 : i32
    %dma_wait3A_69 = arith.constant 0 : i32
    %dma_wait3A_70 = tpu.memref_slice %arg2[%dma_wait3A_68, %dma_wait3A_69] : memref<19265x256xf32, #tpu.memory_space<hbm>> -> memref<19265x256xf32, #tpu.memory_space<hbm>>
    tpu.wait_indirect_dma semaphore(%arg12 : memref<!tpu.dma_semaphore, #tpu.memory_space<semaphore_mem>>) src(%dma_wait3A_70 : memref<19265x256xf32, #tpu.memory_space<hbm>>) dst(%arg8 : memref<64x256xf32, #tpu.memory_space<vmem>>)
    %dma_start3A_71 = arith.constant 62 : i32
    %dma_start3A_72 = arith.constant 0 : i32
    %dma_start3A_73 = arith.constant 0 : i32
    %dma_start3A_74 = tpu.memref_slice %arg4[%add3A, %dma_start3A_71, %dma_start3A_72, %dma_start3A_73] : memref<32x64x64x256xf32, #tpu.memory_space<hbm>> -> memref<1x1x64x256xf32, #tpu.memory_space<hbm>>
    %dma_start3A_75 = tpu.memref_squeeze %dma_start3A_74 : memref<1x1x64x256xf32, #tpu.memory_space<hbm>> -> memref<64x256xf32, #tpu.memory_space<hbm>>
    %dma_start3A_76 = arith.constant 0 : i32
    %dma_start3A_77 = arith.constant 0 : i32
    %dma_start3A_78 = tpu.memref_slice %arg4[%add3A, %dma_start3A_71, %dma_start3A_76, %dma_start3A_77] : memref<32x64x64x256xf32, #tpu.memory_space<hbm>> -> memref<1x1x64x256xf32, #tpu.memory_space<hbm>>
    %dma_start3A_79 = tpu.memref_squeeze %dma_start3A_78 : memref<1x1x64x256xf32, #tpu.memory_space<hbm>> -> memref<64x256xf32, #tpu.memory_space<hbm>>
    tpu.enqueue_dma source(%arg8 : memref<64x256xf32, #tpu.memory_space<vmem>>) target(%dma_start3A_79 : memref<64x256xf32, #tpu.memory_space<hbm>>) target_semaphore(%arg16 : memref<!tpu.dma_semaphore, #tpu.memory_space<semaphore_mem>>)
    %dma_wait3A_80 = arith.constant 63 : i32
    %dma_wait3A_81 = arith.constant 0 : i32
    %dma_wait3A_82 = tpu.memref_slice %arg5[%dma_wait3A_80, %dma_wait3A_81] : memref<64x64xi32, #tpu.memory_space<vmem>> -> memref<1x64xi32, #tpu.memory_space<vmem>>
    %dma_wait3A_83 = tpu.memref_squeeze %dma_wait3A_82 : memref<1x64xi32, #tpu.memory_space<vmem>> -> memref<64xi32, #tpu.memory_space<vmem>>
    %dma_wait3A_84 = arith.constant 0 : i32
    %dma_wait3A_85 = arith.constant 0 : i32
    %dma_wait3A_86 = tpu.memref_slice %arg2[%dma_wait3A_84, %dma_wait3A_85] : memref<19265x256xf32, #tpu.memory_space<hbm>> -> memref<19265x256xf32, #tpu.memory_space<hbm>>
    tpu.wait_indirect_dma semaphore(%arg13 : memref<!tpu.dma_semaphore, #tpu.memory_space<semaphore_mem>>) src(%dma_wait3A_86 : memref<19265x256xf32, #tpu.memory_space<hbm>>) dst(%arg9 : memref<64x256xf32, #tpu.memory_space<vmem>>)
    %dma_start3A_87 = arith.constant 63 : i32
    %dma_start3A_88 = arith.constant 0 : i32
    %dma_start3A_89 = arith.constant 0 : i32
    %dma_start3A_90 = tpu.memref_slice %arg4[%add3A, %dma_start3A_87, %dma_start3A_88, %dma_start3A_89] : memref<32x64x64x256xf32, #tpu.memory_space<hbm>> -> memref<1x1x64x256xf32, #tpu.memory_space<hbm>>
    %dma_start3A_91 = tpu.memref_squeeze %dma_start3A_90 : memref<1x1x64x256xf32, #tpu.memory_space<hbm>> -> memref<64x256xf32, #tpu.memory_space<hbm>>
    %dma_start3A_92 = arith.constant 0 : i32
    %dma_start3A_93 = arith.constant 0 : i32
    %dma_start3A_94 = tpu.memref_slice %arg4[%add3A, %dma_start3A_87, %dma_start3A_92, %dma_start3A_93] : memref<32x64x64x256xf32, #tpu.memory_space<hbm>> -> memref<1x1x64x256xf32, #tpu.memory_space<hbm>>
    %dma_start3A_95 = tpu.memref_squeeze %dma_start3A_94 : memref<1x1x64x256xf32, #tpu.memory_space<hbm>> -> memref<64x256xf32, #tpu.memory_space<hbm>>
    tpu.enqueue_dma source(%arg9 : memref<64x256xf32, #tpu.memory_space<vmem>>) target(%dma_start3A_95 : memref<64x256xf32, #tpu.memory_space<hbm>>) target_semaphore(%arg17 : memref<!tpu.dma_semaphore, #tpu.memory_space<semaphore_mem>>)
    %dma_wait3A_96 = arith.constant 60 : i32
    %dma_wait3A_97 = arith.constant 0 : i32
    %dma_wait3A_98 = arith.constant 0 : i32
    %dma_wait3A_99 = tpu.memref_slice %arg4[%add3A, %dma_wait3A_96, %dma_wait3A_97, %dma_wait3A_98] : memref<32x64x64x256xf32, #tpu.memory_space<hbm>> -> memref<1x1x64x256xf32, #tpu.memory_space<hbm>>
    %dma_wait3A_100 = tpu.memref_squeeze %dma_wait3A_99 : memref<1x1x64x256xf32, #tpu.memory_space<hbm>> -> memref<64x256xf32, #tpu.memory_space<hbm>>
    %dma_wait3A_101 = arith.constant 0 : i32
    %dma_wait3A_102 = arith.constant 0 : i32
    %dma_wait3A_103 = tpu.memref_slice %arg4[%add3A, %dma_wait3A_96, %dma_wait3A_101, %dma_wait3A_102] : memref<32x64x64x256xf32, #tpu.memory_space<hbm>> -> memref<1x1x64x256xf32, #tpu.memory_space<hbm>>
    %dma_wait3A_104 = tpu.memref_squeeze %dma_wait3A_103 : memref<1x1x64x256xf32, #tpu.memory_space<hbm>> -> memref<64x256xf32, #tpu.memory_space<hbm>>
    tpu.wait_dma2 semaphore(%arg14 : memref<!tpu.dma_semaphore, #tpu.memory_space<semaphore_mem>>) src(%arg6 : memref<64x256xf32, #tpu.memory_space<vmem>>) dst(%dma_wait3A_104 : memref<64x256xf32, #tpu.memory_space<hbm>>)
    %dma_wait3A_105 = arith.constant 61 : i32
    %dma_wait3A_106 = arith.constant 0 : i32
    %dma_wait3A_107 = arith.constant 0 : i32
    %dma_wait3A_108 = tpu.memref_slice %arg4[%add3A, %dma_wait3A_105, %dma_wait3A_106, %dma_wait3A_107] : memref<32x64x64x256xf32, #tpu.memory_space<hbm>> -> memref<1x1x64x256xf32, #tpu.memory_space<hbm>>
    %dma_wait3A_109 = tpu.memref_squeeze %dma_wait3A_108 : memref<1x1x64x256xf32, #tpu.memory_space<hbm>> -> memref<64x256xf32, #tpu.memory_space<hbm>>
    %dma_wait3A_110 = arith.constant 0 : i32
    %dma_wait3A_111 = arith.constant 0 : i32
    %dma_wait3A_112 = tpu.memref_slice %arg4[%add3A, %dma_wait3A_105, %dma_wait3A_110, %dma_wait3A_111] : memref<32x64x64x256xf32, #tpu.memory_space<hbm>> -> memref<1x1x64x256xf32, #tpu.memory_space<hbm>>
    %dma_wait3A_113 = tpu.memref_squeeze %dma_wait3A_112 : memref<1x1x64x256xf32, #tpu.memory_space<hbm>> -> memref<64x256xf32, #tpu.memory_space<hbm>>
    tpu.wait_dma2 semaphore(%arg15 : memref<!tpu.dma_semaphore, #tpu.memory_space<semaphore_mem>>) src(%arg7 : memref<64x256xf32, #tpu.memory_space<vmem>>) dst(%dma_wait3A_113 : memref<64x256xf32, #tpu.memory_space<hbm>>)
    %dma_wait3A_114 = arith.constant 62 : i32
    %dma_wait3A_115 = arith.constant 0 : i32
    %dma_wait3A_116 = arith.constant 0 : i32
    %dma_wait3A_117 = tpu.memref_slice %arg4[%add3A, %dma_wait3A_114, %dma_wait3A_115, %dma_wait3A_116] : memref<32x64x64x256xf32, #tpu.memory_space<hbm>> -> memref<1x1x64x256xf32, #tpu.memory_space<hbm>>
    %dma_wait3A_118 = tpu.memref_squeeze %dma_wait3A_117 : memref<1x1x64x256xf32, #tpu.memory_space<hbm>> -> memref<64x256xf32, #tpu.memory_space<hbm>>
    %dma_wait3A_119 = arith.constant 0 : i32
    %dma_wait3A_120 = arith.constant 0 : i32
    %dma_wait3A_121 = tpu.memref_slice %arg4[%add3A, %dma_wait3A_114, %dma_wait3A_119, %dma_wait3A_120] : memref<32x64x64x256xf32, #tpu.memory_space<hbm>> -> memref<1x1x64x256xf32, #tpu.memory_space<hbm>>
    %dma_wait3A_122 = tpu.memref_squeeze %dma_wait3A_121 : memref<1x1x64x256xf32, #tpu.memory_space<hbm>> -> memref<64x256xf32, #tpu.memory_space<hbm>>
    tpu.wait_dma2 semaphore(%arg16 : memref<!tpu.dma_semaphore, #tpu.memory_space<semaphore_mem>>) src(%arg8 : memref<64x256xf32, #tpu.memory_space<vmem>>) dst(%dma_wait3A_122 : memref<64x256xf32, #tpu.memory_space<hbm>>)
    %dma_wait3A_123 = arith.constant 63 : i32
    %dma_wait3A_124 = arith.constant 0 : i32
    %dma_wait3A_125 = arith.constant 0 : i32
    %dma_wait3A_126 = tpu.memref_slice %arg4[%add3A, %dma_wait3A_123, %dma_wait3A_124, %dma_wait3A_125] : memref<32x64x64x256xf32, #tpu.memory_space<hbm>> -> memref<1x1x64x256xf32, #tpu.memory_space<hbm>>
    %dma_wait3A_127 = tpu.memref_squeeze %dma_wait3A_126 : memref<1x1x64x256xf32, #tpu.memory_space<hbm>> -> memref<64x256xf32, #tpu.memory_space<hbm>>
    %dma_wait3A_128 = arith.constant 0 : i32
    %dma_wait3A_129 = arith.constant 0 : i32
    %dma_wait3A_130 = tpu.memref_slice %arg4[%add3A, %dma_wait3A_123, %dma_wait3A_128, %dma_wait3A_129] : memref<32x64x64x256xf32, #tpu.memory_space<hbm>> -> memref<1x1x64x256xf32, #tpu.memory_space<hbm>>
    %dma_wait3A_131 = tpu.memref_squeeze %dma_wait3A_130 : memref<1x1x64x256xf32, #tpu.memory_space<hbm>> -> memref<64x256xf32, #tpu.memory_space<hbm>>
    tpu.wait_dma2 semaphore(%arg17 : memref<!tpu.dma_semaphore, #tpu.memory_space<semaphore_mem>>) src(%arg9 : memref<64x256xf32, #tpu.memory_space<vmem>>) dst(%dma_wait3A_131 : memref<64x256xf32, #tpu.memory_space<hbm>>)
    return
  }
}

module attributes {stable_mosaic.version = 14 : i64} {
  func.func @body(%arg0: i32, %arg1: memref<1x1x4096xf32, #tpu.memory_space<vmem>>, %arg2: memref<4096x256xf32, #tpu.memory_space<vmem>>, %arg3: memref<1x100xf32, #tpu.memory_space<vmem>>, %arg4: memref<1x100xf32, #tpu.memory_space<vmem>>, %arg5: memref<100x100xf32, #tpu.memory_space<vmem>>, %arg6: memref<1x100xf32, #tpu.memory_space<vmem>>, %arg7: memref<100x512xf32, #tpu.memory_space<vmem>>, %arg8: memref<1x512xf32, #tpu.memory_space<vmem>>, %arg9: memref<4096x512xf32, #tpu.memory_space<vmem>>) attributes {dimension_semantics = [#tpu.dimension_semantics<arbitrary>], iteration_bounds = array<i64: 32>, scalar_prefetch = 0 : i64, scratch_operands = 0 : i64, tpu.core_type = #tpu.core_type<tc>, window_params = [{transform_indices = @transform_0, window_bounds = array<i64: 1, 1, 4096>}, {transform_indices = @transform_1, window_bounds = array<i64: 4096, 256>}, {pipeline_mode = #tpu.pipeline_mode<synchronous>, transform_indices = @transform_2, window_bounds = array<i64: 1, 100>}, {pipeline_mode = #tpu.pipeline_mode<synchronous>, transform_indices = @transform_3, window_bounds = array<i64: 1, 100>}, {pipeline_mode = #tpu.pipeline_mode<synchronous>, transform_indices = @transform_4, window_bounds = array<i64: 100, 100>}, {pipeline_mode = #tpu.pipeline_mode<synchronous>, transform_indices = @transform_5, window_bounds = array<i64: 1, 100>}, {pipeline_mode = #tpu.pipeline_mode<synchronous>, transform_indices = @transform_6, window_bounds = array<i64: 100, 512>}, {pipeline_mode = #tpu.pipeline_mode<synchronous>, transform_indices = @transform_7, window_bounds = array<i64: 1, 512>}, {transform_indices = @transform_8, window_bounds = array<i64: 4096, 512>}]} {
    %get3A = arith.constant 0 : index
    %get3A_0 = arith.constant 0 : index
    %get3A_1 = arith.constant 0 : index
    %get3A_2 = vector.load %arg1[%get3A, %get3A_0, %get3A_1] : memref<1x1x4096xf32, #tpu.memory_space<vmem>>, vector<1x1x4096xf32>
    %reshape3A = vector.shape_cast %get3A_2 : vector<1x1x4096xf32> to vector<4096x1xf32>
    %get3A_3 = arith.constant 0 : index
    %get3A_4 = arith.constant 0 : index
    %get3A_5 = vector.load %arg3[%get3A_3, %get3A_4] : memref<1x100xf32, #tpu.memory_space<vmem>>, vector<1x100xf32>
    %mul3A = vector.broadcast %reshape3A : vector<4096x1xf32> to vector<4096x100xf32>
    %mul3A_6 = vector.broadcast %get3A_5 : vector<1x100xf32> to vector<4096x100xf32>
    %mul3A_7 = arith.mulf %mul3A, %mul3A_6 : vector<4096x100xf32>
    %get3A_8 = arith.constant 0 : index
    %get3A_9 = arith.constant 0 : index
    %get3A_10 = vector.load %arg4[%get3A_8, %get3A_9] : memref<1x100xf32, #tpu.memory_space<vmem>>, vector<1x100xf32>
    %add3A = vector.broadcast %get3A_10 : vector<1x100xf32> to vector<4096x100xf32>
    %add3A_11 = arith.addf %mul3A_7, %add3A : vector<4096x100xf32>
    %ge3A = arith.constant 0.000000e+00 : f32
    %ge3A_12 = vector.broadcast %ge3A : f32 to vector<4096x100xf32>
    %ge3A_13 = arith.cmpf oge, %add3A_11, %ge3A_12 : vector<4096x100xf32>
    %mul3A_14 = arith.constant 1.000000e-01 : f32
    %mul3A_15 = vector.broadcast %mul3A_14 : f32 to vector<4096x100xf32>
    %mul3A_16 = arith.mulf %mul3A_15, %add3A_11 : vector<4096x100xf32>
    %select_n3A = arith.select %ge3A_13, %add3A_11, %mul3A_16 : vector<4096x100xi1>, vector<4096x100xf32>
    %get3A_17 = arith.constant 0 : index
    %get3A_18 = arith.constant 0 : index
    %get3A_19 = vector.load %arg5[%get3A_17, %get3A_18] : memref<100x100xf32, #tpu.memory_space<vmem>>, vector<100x100xf32>
    %dot_general3A = arith.constant dense<0.000000e+00> : vector<4096x100xf32>
    %dot_general3A_20 = tpu.matmul %select_n3A, %get3A_19, %dot_general3A {dimension_numbers = #tpu.dot_dimension_numbers<[1], [0], [0], [1], [0, 0, 1, 1], [], []>, transpose_lhs_hint = false} : vector<4096x100xf32>, vector<100x100xf32>, vector<4096x100xf32> -> vector<4096x100xf32>
    %add3A_21 = arith.addf %select_n3A, %dot_general3A_20 : vector<4096x100xf32>
    %get3A_22 = arith.constant 0 : index
    %get3A_23 = arith.constant 0 : index
    %get3A_24 = vector.load %arg6[%get3A_22, %get3A_23] : memref<1x100xf32, #tpu.memory_space<vmem>>, vector<1x100xf32>
    %add3A_25 = vector.broadcast %get3A_24 : vector<1x100xf32> to vector<4096x100xf32>
    %add3A_26 = arith.addf %add3A_21, %add3A_25 : vector<4096x100xf32>
    %reduce_max3A = arith.constant dense<0xFF800000> : vector<4096xf32>
    %reduce_max3A_27 = vector.multi_reduction <maximumf>, %add3A_26, %reduce_max3A [1] : vector<4096x100xf32> to vector<4096xf32>
    %broadcast_in_dim3A = vector.shape_cast %reduce_max3A_27 : vector<4096xf32> to vector<4096x1xf32>
    %sub3A = vector.broadcast %broadcast_in_dim3A : vector<4096x1xf32> to vector<4096x100xf32>
    %sub3A_28 = arith.subf %add3A_26, %sub3A : vector<4096x100xf32>
    %exp3A = math.exp %sub3A_28 : vector<4096x100xf32>
    %reduce_sum3A = arith.constant dense<0.000000e+00> : vector<4096xf32>
    %reduce_sum3A_29 = vector.multi_reduction <add>, %exp3A, %reduce_sum3A [1] : vector<4096x100xf32> to vector<4096xf32>
    %broadcast_in_dim3A_30 = vector.shape_cast %reduce_sum3A_29 : vector<4096xf32> to vector<4096x1xf32>
    %div3A = vector.broadcast %broadcast_in_dim3A_30 : vector<4096x1xf32> to vector<4096x100xf32>
    %div3A_31 = arith.divf %exp3A, %div3A : vector<4096x100xf32>
    %convert_element_type3A = arith.truncf %div3A_31 : vector<4096x100xf32> to vector<4096x100xbf16>
    %get3A_32 = arith.constant 0 : index
    %get3A_33 = arith.constant 0 : index
    %get3A_34 = vector.load %arg7[%get3A_32, %get3A_33] : memref<100x512xf32, #tpu.memory_space<vmem>>, vector<100x512xf32>
    %convert_element_type3A_35 = arith.truncf %get3A_34 : vector<100x512xf32> to vector<100x512xbf16>
    %dot_general3A_36 = arith.constant dense<0.000000e+00> : vector<4096x512xf32>
    %dot_general3A_37 = tpu.matmul %convert_element_type3A, %convert_element_type3A_35, %dot_general3A_36 {dimension_numbers = #tpu.dot_dimension_numbers<[1], [0], [0], [1], [0, 0, 1, 1], [], []>, transpose_lhs_hint = false} : vector<4096x100xbf16>, vector<100x512xbf16>, vector<4096x512xf32> -> vector<4096x512xf32>
    %get3A_38 = arith.constant 0 : index
    %get3A_39 = arith.constant 0 : index
    %get3A_40 = vector.load %arg8[%get3A_38, %get3A_39] : memref<1x512xf32, #tpu.memory_space<vmem>>, vector<1x512xf32>
    %convert_element_type3A_41 = arith.truncf %get3A_40 : vector<1x512xf32> to vector<1x512xbf16>
    %convert_element_type3A_42 = arith.extf %convert_element_type3A_41 : vector<1x512xbf16> to vector<1x512xf32>
    %ne3A = arith.cmpf one, %reshape3A, %reshape3A : vector<4096x1xf32>
    %get3A_43 = arith.constant 0 : index
    %get3A_44 = arith.constant 0 : index
    %get3A_45 = vector.load %arg2[%get3A_43, %get3A_44] : memref<4096x256xf32, #tpu.memory_space<vmem>>, vector<4096x256xf32>
    %bitcast_convert_type3A = tpu.bitcast %get3A_45 : vector<4096x256xf32> -> vector<4096x256xi32>
    %shift_left3A = arith.constant 16 : i32
    %shift_left3A_46 = vector.broadcast %shift_left3A : i32 to vector<4096x256xi32>
    %shift_left3A_47 = arith.shli %bitcast_convert_type3A, %shift_left3A_46 : vector<4096x256xi32>
    %bitcast_convert_type3A_48 = tpu.bitcast %shift_left3A_47 : vector<4096x256xi32> -> vector<4096x256xf32>
    %and3A = arith.constant -65536 : i32
    %and3A_49 = vector.broadcast %and3A : i32 to vector<4096x256xi32>
    %and3A_50 = arith.andi %bitcast_convert_type3A, %and3A_49 : vector<4096x256xi32>
    %bitcast_convert_type3A_51 = tpu.bitcast %and3A_50 : vector<4096x256xi32> -> vector<4096x256xf32>
    %concatenate3A = tpu.concatenate %bitcast_convert_type3A_48, %bitcast_convert_type3A_51 in 1 : vector<4096x256xf32>, vector<4096x256xf32> -> vector<4096x512xf32>
    %broadcast_in_dim3A_52 = vector.shape_cast %ne3A : vector<4096x1xi1> to vector<4096x1xi1>
    %broadcast_in_dim3A_53 = vector.broadcast %broadcast_in_dim3A_52 : vector<4096x1xi1> to vector<4096x512xi1>
    %broadcast_in_dim3A_54 = vector.shape_cast %convert_element_type3A_42 : vector<1x512xf32> to vector<1x512xf32>
    %broadcast_in_dim3A_55 = vector.broadcast %broadcast_in_dim3A_54 : vector<1x512xf32> to vector<4096x512xf32>
    %select_n3A_56 = arith.select %broadcast_in_dim3A_53, %broadcast_in_dim3A_55, %dot_general3A_37 : vector<4096x512xi1>, vector<4096x512xf32>
    %add3A_57 = arith.addf %concatenate3A, %select_n3A_56 : vector<4096x512xf32>
    %swap3A = arith.constant 0 : index
    %swap3A_58 = arith.constant 0 : index
    %swap3A_59 = vector.load %arg9[%swap3A, %swap3A_58] : memref<4096x512xf32, #tpu.memory_space<vmem>>, vector<4096x512xf32>
    tpu.vector_store %arg9[%swap3A, %swap3A_58], %add3A_57 {strides = array<i32>} : memref<4096x512xf32, #tpu.memory_space<vmem>>, vector<4096x512xf32>,
    return
  }
  func.func @transform_0(%arg0: i32) -> (i32, i32, i32) {
    %add3A = arith.constant 0 : i32
    %add3A_0 = arith.addi %add3A, %arg0 : i32
    %c0_i32 = arith.constant 0 : i32
    %c0_i32_1 = arith.constant 0 : i32
    %c0_i32_2 = arith.constant 0 : i32
    return %add3A_0, %c0_i32, %c0_i32_1 : i32, i32, i32
  }
  func.func @transform_1(%arg0: i32) -> (i32, i32) {
    %c0_i32 = arith.constant 0 : i32
    %c0_i32_0 = arith.constant 0 : i32
    return %arg0, %c0_i32 : i32, i32
  }
  func.func @transform_2(%arg0: i32) -> (i32, i32) {
    %c0_i32 = arith.constant 0 : i32
    %c0_i32_0 = arith.constant 0 : i32
    %c0_i32_1 = arith.constant 0 : i32
    return %c0_i32, %c0_i32_0 : i32, i32
  }
  func.func @transform_3(%arg0: i32) -> (i32, i32) {
    %c0_i32 = arith.constant 0 : i32
    %c0_i32_0 = arith.constant 0 : i32
    %c0_i32_1 = arith.constant 0 : i32
    return %c0_i32, %c0_i32_0 : i32, i32
  }
  func.func @transform_4(%arg0: i32) -> (i32, i32) {
    %c0_i32 = arith.constant 0 : i32
    %c0_i32_0 = arith.constant 0 : i32
    %c0_i32_1 = arith.constant 0 : i32
    return %c0_i32, %c0_i32_0 : i32, i32
  }
  func.func @transform_5(%arg0: i32) -> (i32, i32) {
    %c0_i32 = arith.constant 0 : i32
    %c0_i32_0 = arith.constant 0 : i32
    %c0_i32_1 = arith.constant 0 : i32
    return %c0_i32, %c0_i32_0 : i32, i32
  }
  func.func @transform_6(%arg0: i32) -> (i32, i32) {
    %c0_i32 = arith.constant 0 : i32
    %c0_i32_0 = arith.constant 0 : i32
    %c0_i32_1 = arith.constant 0 : i32
    return %c0_i32, %c0_i32_0 : i32, i32
  }
  func.func @transform_7(%arg0: i32) -> (i32, i32) {
    %c0_i32 = arith.constant 0 : i32
    %c0_i32_0 = arith.constant 0 : i32
    %c0_i32_1 = arith.constant 0 : i32
    return %c0_i32, %c0_i32_0 : i32, i32
  }
  func.func @transform_8(%arg0: i32) -> (i32, i32) {
    %add3A = arith.constant 0 : i32
    %add3A_0 = arith.addi %add3A, %arg0 : i32
    %c0_i32 = arith.constant 0 : i32
    %c0_i32_1 = arith.constant 0 : i32
    return %add3A_0, %c0_i32 : i32, i32
  }
}

</mosaic_0001>

<sc_bundles>
// kernel: kernel.4.cloned.1.call-start
scs
__scs_entry_jumppad:
0x0: {  	(pc) =	sbr.rel $0x88, $3  }
0x1: {  	(tag) =	ssettag $0x0;
	lr =	simm.s32 $0x1  }
0x2: {  	[smem:$0x3F97] =	sst lr;
	_ =	strace $0xD0000000  }
0x3: {  	_ = 	snop  }
0x4: {  	_ = 	snop  }
0x5: {  	_ = 	snop  }
0x6: {  	_ = 	snop  }
0x7: {  	_ = 	snop  }
__scs_overlays_trampoline_lowered:
0x8: {  	[smem:$0x3FA6] =	sst s0  }
0x9: {  	[smem:$0x3FA7] =	sst s1  }
0xa: {  	[smem:$0x3FA8] =	sst s2  }
0xb: {  	[smem:$0x3FA9] =	sst s3  }
0xc: {  	[smem:$0x3FAA] =	sst s4  }
0xd: {  	[smem:$0x3FAB] =	sst s5  }
0xe: {  	[smem:$0x3FAC] =	sst s6  }
0xf: {  	[smem:$0x3FAD] =	sst s7  }
0x10: {  	[smem:$0x3FAE] =	sst s8  }
0x11: {  	[smem:$0x3FAF] =	sst s9;
	s0 =	simm.s32 @!p0 $0x0  }
0x12: {  	s1 =	sld [smem:$0x3F95];
	s0 =	simm.s32 @p0 $0x1  }
0x13: {  	[smem:$0x3FB0] =	sst s0;
	s0 =	simm.s32 @!p1 $0x0  }
0x14: {  	s2 =	sld [smem:$0x3F94];
	s0 =	simm.s32 @p1 $0x1  }
0x15: {  	[smem:$0x3FB1] =	sst s0;
	s0 =	simm.s32 @!p2 $0x0  }
0x16: {  	s3 =	sld [smem:$0x3FDB];
	s0 =	simm.s32 @p2 $0x1  }
0x17: {  	s4 =	simm.s32 $0x1BF5;
	[smem:$0x3FB3] =	sst s0  }
0x18: {  	s0 =	sld [smem:$0x3F96];
	_ =	swait.ge [sflag:s4], $0x0  }
0x19: {  	s7 =	sld [smem:$0x3F97]  }
0x1a: {  	s8 =	sadd.s32 $0xFFFFE003, lr  }
0x1b: {  	s9 =	sadd.s32 $0xFFFFFEF7, lr;
	s5 =	simm.s32 $0xFFFFFFFF;
	p2 =	slt.u32 s8, $0xFFFFF086  }
0x1c: {  	p1 =	slt.u32 s9, $0xF7A;
	s5 =	simm.s32 @!p2 $0x0  }
0x1d: {  	s5 =	simm.s32 @p1 $0x1;
	p0 =	seq.s32 s7, s2  }
0x1e: {  	s7 =	smul.u32 @!p0 $0xF7A, s2;
	p2 =	seq.s32 @!p0 s5, $0x0  }
0x1f: {  	s9 =	smul.u32 $0xF7A, s1;
	s8 =	simm.s32 @!p0 $0x1BF5;
	p2 =	por !p2, p0  }
0x20: {  	[sflag:s8] =	ssyncset.s32 @!p0 $0xFFFFF086;
	s6 =	sadd.s32 @!p0 s3, s7;
	s7 =	simm.s32 @!p0 $0x108  }
0x21: {  	s3 =	sadd.s32 s3, s9;
	s6 =	sadd.s32 @!p0 $0x88, s6;
	s7 =	simm.s32 @p2 $0x1082  }
0x22: {  	[simem:s7], [sflag:s8] =	dma.local @!p0 [hbm:s6], $0xF7A  }
0x23: {  	s9 =	sor.u32 $0xD0000000, s2;
	s6 =	simm.s32 $0x108;
	_ =	swait.ge @!p0 [sflag:s8], $0x0  }
0x24: {  	s3 =	sadd.s32 $0x88, s3;
	s6 =	simm.s32 @!p1 $0x1082;
	[sflag:s4] =	ssyncset.s32 $0xFFFFF086  }
0x25: {  	[simem:s6], [sflag:s4] =	dma.local [hbm:s3], $0xF7A  }
0x26: {  	[smem:$0x3F97] =	sst s1;
	(tag) =	ssettag s2;
	_ =	strace s9  }
0x27: {  	s1 =	sld [smem:$0x3FA7]  }
0x28: {  	s2 =	sld [smem:$0x3FA8]  }
0x29: {  	s4 =	sld [smem:$0x3FAA]  }
0x2a: {  	p0 =	seq.s32 s5, $0x0;
	s5 =	sld [smem:$0x3FAB]  }
0x2b: {  	s6 =	sld [smem:$0x3FAC]  }
0x2c: {  	s7 =	sld [smem:$0x3FAD]  }
0x2d: {  	s3 =	simm.s32 $0x108;
	s8 =	sld [smem:$0x3FAE]  }
0x2e: {  	s3 =	simm.s32 @!p0 $0x1082;
	s9 =	sld [smem:$0x3FAF]  }
0x2f: {  	lr =	sadd.s32 s0, s3;
	s0 =	sld [smem:$0x3FA6]  }
0x30: {  	s3 =	sld [smem:$0x3FA9]  }
0x31: {  	[smem:$0x3FB2] =	sst s10  }
0x32: {  	s10 =	sld [smem:$0x3FB0];
	_ =	sdelay $0x3  }
0x33: {  	p0 =	seq.s32 s10, $0x1;
	s10 =	sld [smem:$0x3FB2];
	_ =	sdelay $0x3  }
0x34: {  	[smem:$0x3FB2] =	sst s10  }
0x35: {  	s10 =	sld [smem:$0x3FB1];
	_ =	sdelay $0x3  }
0x36: {  	p1 =	seq.s32 s10, $0x1;
	s10 =	sld [smem:$0x3FB2];
	_ =	sdelay $0x3  }
0x37: {  	[smem:$0x3FB2] =	sst s10  }
0x38: {  	s10 =	sld [smem:$0x3FB3]  }
0x39: {  	_ = 	snop;
	(pc) =	sbr.ind lr, $3  }
0x3a: {  	_ = 	snop  }
0x3b: {  	_ = 	snop  }
0x3c: {  	p2 =	seq.s32 s10, $0x1;
	s10 =	sld [smem:$0x3FB2]  }
0x3d: {  	_ =	shalt  }
0x3e: {  	_ =	shalt  }
0x3f: {  	_ =	shalt  }
0x40: {  	_ =	shalt  }
0x41: {  	_ =	shalt  }
0x42: {  	_ =	shalt  }
0x43: {  	_ =	shalt  }
0x44: {  	_ =	shalt  }
0x45: {  	_ =	shalt  }
0x46: {  	_ =	shalt  }
0x47: {  	_ =	shalt  }
0x48: {  	_ =	shalt  }
0x49: {  	_ =	shalt  }
0x4a: {  	_ =	shalt  }
0x4b: {  	_ =	shalt  }
0x4c: {  	_ =	shalt  }
0x4d: {  	_ =	shalt  }
0x4e: {  	_ =	shalt  }
0x4f: {  	_ =	shalt  }
0x50: {  	_ =	shalt  }
0x51: {  	_ =	shalt  }
0x52: {  	_ =	shalt  }
0x53: {  	_ =	shalt  }
0x54: {  	_ =	shalt  }
0x55: {  	_ =	shalt  }
0x56: {  	_ =	shalt  }
0x57: {  	_ =	shalt  }
0x58: {  	_ =	shalt  }
0x59: {  	_ =	shalt  }
0x5a: {  	_ =	shalt  }
0x5b: {  	_ =	shalt  }
0x5c: {  	_ =	shalt  }
0x5d: {  	_ =	shalt  }
0x5e: {  	_ =	shalt  }
0x5f: {  	_ =	shalt  }
0x60: {  	_ =	shalt  }
0x61: {  	_ =	shalt  }
0x62: {  	_ =	shalt  }
0x63: {  	_ =	shalt  }
0x64: {  	_ =	shalt  }
0x65: {  	_ =	shalt  }
0x66: {  	_ =	shalt  }
0x67: {  	_ =	shalt  }
0x68: {  	_ =	shalt  }
0x69: {  	_ =	shalt  }
0x6a: {  	_ =	shalt  }
0x6b: {  	_ =	shalt  }
0x6c: {  	_ =	shalt  }
0x6d: {  	_ =	shalt  }
0x6e: {  	_ =	shalt  }
0x6f: {  	_ =	shalt  }
0x70: {  	_ =	shalt  }
0x71: {  	_ =	shalt  }
0x72: {  	_ =	shalt  }
0x73: {  	_ =	shalt  }
0x74: {  	_ =	shalt  }
0x75: {  	_ =	shalt  }
0x76: {  	_ =	shalt  }
0x77: {  	_ =	shalt  }
0x78: {  	_ =	shalt  }
0x79: {  	_ =	shalt  }
0x7a: {  	_ =	shalt  }
0x7b: {  	_ =	shalt  }
0x7c: {  	_ =	shalt  }
0x7d: {  	_ =	shalt  }
0x7e: {  	_ =	shalt  }
0x7f: {  	_ =	shalt  }
0x80: {  	_ =	shalt  }
0x81: {  	_ =	shalt  }
0x82: {  	_ =	shalt  }
0x83: {  	_ =	shalt  }
0x84: {  	_ =	shalt  }
0x85: {  	_ =	shalt  }
0x86: {  	_ =	shalt  }
0x87: {  	_ =	shalt  }
.Lfunc_end0:
.L_simem_size_0:
called_computation_lowered:
.L_overlay_start_0:
0x88: {  	s2 =	sld [smem:$0x3FD9]  }
0x89: {  	s3 =	sld [smem:$0x3FFE];
	_ =	sdelay $0x1  }
0x8a: {  	s1 =	srdreg.scid  }
0x8b: {  	s0 =	sand.u32 $0x1, s1  }
0x8c: {  	s17 =	sshll.u32 s0, $0xA;
	s2 =	sadd.s32 s3, s2  }
0x8d: {  	s2 =	sadd.s32 s2, s17  }
0x8e: {  	[smem:$0x3FBE] =	sst s2  }
0x8f: {  	_ = 	snop  }
0x90: {  	s2 =	sld [smem:$0x3FD0];
	(tm) =	ssettm $0x1  }
0x91: {  	s18 =	sld [smem:$0x3FFB];
	_ =	sdelay $0x3  }
0x92: {  	_ =	strace s18  }
0x93: {  	s3 =	sld [smem:$0x3FFC];
	_ =	sdelay $0x3  }
0x94: {  	_ =	strace s3  }
0x95: {  	s3 =	sld [smem:$0x3FFD];
	_ =	sdelay $0x3  }
0x96: {  	_ =	strace s3  }
0x97: {  	_ =	strace $0x8FFFFFFF  }
0x98: {  	s19 =	sld [smem:$0x3FDB];
	_ =	sdelay $0x1  }
0x99: {  	s4 =	simm.s32 $_scs_section_size  }
0x9a: {  	s5 =	simm.s32 $_size__tile_overlayer_lowered;
	s6 =	simm.s32 $_tile_overlayer_lowered  }
0x9b: {  	s22 =	simm.s32 $0x1BFF;
	s21 =	sshll.u32 s6, $0x1;
	s3 =	sadd.s32 s4, s19  }
0x9c: {  	s7 =	simm.s32 $0x0;
	s20 =	sshll.u32 s5, $0x1;
	s5 =	sadd.s32 s21, s3  }
0x9d: {  	[timem:s7], [sflag:s22] =	dma.local [hbm:s5], s20  }
0x9e: {  	_ =	swait.ge [sflag:s22], s20  }
0x9f: {  	s4 =	ssub.s32 $0x0, s20;
	[sflag:s22] =	ssyncset.done $0x0  }
0xa0: {  	[sflag:s22] =	ssyncadd.s32 s4;
	_ =	sdelay $0x1  }
0xa1: {  	s23 =	simm.s32 $0x1B8B  }
0xa2: {  	_ =	swait.ge [sflag:s23], $0x1  }
0xa3: {  	[sflag:s23] =	ssyncset.done $0x0  }
0xa4: {  	s25 =	simm.s32 $0x1B8E;
	s24 =	sld [smem:$0x3FFE];
	[sflag:s23] =	ssyncadd.s32 $0xFFFFFFFF  }
0xa5: {  	s26 =	simm.s32 $execute0_lowered;
	[smem:$0x3FD2] =	sst s25  }
0xa6: {  	s5 =	sshll.u32 s26, $0x1;
	_ =	strace $0x80000046;
	[dreg:$0x1] =	wrdreg $0xFFFFFFFF  }
0xa7: {  	s28 =	simm.s32 $_size_execute0_lowered;
	s3 =	sadd.s32 s3, s5;
	[dreg:$0x0] =	wrdreg $0x0  }
0xa8: {  	s5 =	sshll.u32 s28, $0x1;
	[dreg:$0x2] =	wrdreg s3  }
0xa9: {  	[dreg:$0x3] =	wrdreg s5  }
0xaa: {  	[dreg:$0x4] =	wrdreg $0xC0  }
0xab: {  	_ =	task [dreg:s7], $0x5FFFF  }
0xac: {  	[dreg:$0x1] =	wrdreg $0xFFFFFFFF  }
0xad: {  	[dreg:$0x0] =	wrdreg $0x60  }
0xae: {  	[dreg:$0x2] =	wrdreg s2  }
0xaf: {  	[dreg:$0x3] =	wrdreg s24  }
0xb0: {  	[dreg:$0x4] =	wrdreg $0x9  }
0xb1: {  	_ =	task.clear_ibuf [dreg:s7], $0x5FFFF;
	_ =	strace $0x90000046  }
0xb2: {  	s29 =	simm.s32 $0x9;
	_ =	strace $0x80000048  }
0xb3: {  	_ =	swait.ge [sflag:s29], $0x1  }
0xb4: {  	[sflag:s29] =	ssyncadd.s32 $0xFFFFFFFF  }
0xb5: {  	_ =	strace $0x90000048  }
0xb6: {  	_ =	sfence  }
0xb7: {  	s30 =	sld [smem:$0x0];
	_ =	sdelay $0x2  }
0xb8: {  	s31 =	sshll.u32 s1, $0xD;
	s1 =	sshrl.u32 s1, $0x2  }
0xb9: {  	s3 =	sand.u32 $0x4000, s31;
	s1 =	sadd.s32 s1, s30  }
0xba: {  	s0 =	sor.u32 s3, s0;
	s1 =	sshll.u32 s1, $0x11  }
0xbb: {  	s0 =	sor.u32 s1, s0  }
0xbc: {  	s0 =	sadd.s32 $0x8F2B, s0  }
0xbd: {  	[sflag:s0] =	ssyncadd.remote.s32 $0x1  }
0xbe: {  	_ =	sfence.sel $0xFFFF  }
0xbf: {  	[dreg:$0x0] =	wrdreg $0xFFFFFFFF;
	(pc) =	sbr.abs _section_cstart, $3  }
0xc0: {  	[dreg:$0x1] =	wrdreg $0xFFFFFFFF  }
0xc1: {  	_ =	task.clear_ibuf [dreg:s7], $0x2FFFF;
	_ =	strace $0x9FFFFFFF  }
0xc2: {  	(tm) =	ssettm $0x7FFFFFFF  }
0xc3: {  	_ =	shalt  }
tec
execute0_lowered:
.L_overlay_start_1:
0x0: {  	(tag) =	ssettag $0x1  }
0x1: {  	s2 =	rddreg [dreg:$0x0]  }
0x2: {  	s0 =	rddreg [dreg:$0x1];
	s1 =	srdreg.scid  }
0x3: {  	s8 =	stileid.u32;
	s3 =	simm.s32 $0x0;
	s29 =	simm.s32 $0x3800  }
0x4: {  	s30 =	simm.s32 $0x4000;
	s31 =	simm.s32 $0x4800;
	s28 =	simm.s32 $0x6000  }
0x5: {  	s9 =	simm.s32 $0x8000;
	s10 =	simm.s32 $0x8800;
	s12 =	simm.s32 $0x9000  }
0x6: {  	s13 =	simm.s32 $0x9800;
	s14 =	simm.s32 $0xA800;
	s11 =	simm.s32 $0xB000  }
0x7: {  	s15 =	simm.s32 $0x1;
	s16 =	simm.s32 $0x2;
	s1 =	sand.u32 $0x1, s1  }
0x8: {  	s4 =	sshll.u32 s8, $0x1;
	[smem:$0x7FF] =	sst s3;
	s8 =	sshll.u32 s8, $0x15  }
0x9: {  	s4 =	sor.u32 s1, s4;
	_ =	strace $0x80000047;
	s6 =	ssub.s32 $0x2, s1  }
0xa: {  	s1 =	sshll.u32 s1, $0x14;
	s5 =	sshll.u32 s4, $0xA;
	s7 =	sshrl.u32 s6, $0x1  }
0xb: {  	s4 =	sshll.u32 s4, $0x11;
	s1 =	sor.u32 s1, s8;
	s8 =	simm.s32 $0x7800  }
0xc: {  	s5 =	sadd.s32 s5, s0;
	s0 =	sadd.s32 $0x9400, s0;
	s6 =	ssub.s32 s6, s7  }
0xd: {  	s18 =	sshrl.u32 s1, $0x3;
	s20 =	sor.u32 $0x4000, s1;
	s22 =	sor.u32 $0x8000, s1  }
0xe: {  	s1 =	sor.u32 $0xC000, s1;
	s4 =	sadd.s32 s4, s0;
	s5 =	sadd.s32 $0x1400, s5  }
0xf: {  	s21 =	sshrl.u32 s20, $0x3;
	s7 =	sshrl.u32 s22, $0x3;
	s1 =	sshrl.u32 s1, $0x3  }
0x10: {  	s26 =	smax.u32 s6, $0x1;
	s6 =	simm.s32 $0xE000;
	[dreg:$0x7] =	wrdreg s5  }
0x11: {  	s20 =	simm.s32 $0x5;
	s17 =	sadd.s32 $0x1E000, s4;
	[dreg:$0xc] =	wrdreg s26  }
0x12: {  	s22 =	simm.s32 $0x7;
	s19 =	sadd.s32 $0x1E800, s4;
	[dreg:$0x8] =	wrdreg s17  }
0x13: {  	s5 =	sadd.s32 s18, s0;
	s23 =	sadd.s32 s7, s0;
	[dreg:$0x9] =	wrdreg s19  }
0x14: {  	s24 =	sadd.s32 $0x1F000, s4;
	s25 =	sadd.s32 $0x1F800, s4;
	[dreg:$0x3] =	wrdreg s5  }
0x15: {  	s26 =	simm.s32 $0x2800;
	s4 =	simm.s32 $0x5800;
	[dreg:$0xa] =	wrdreg s24  }
0x16: {  	s7 =	simm.s32 $0x7000;
	s18 =	simm.s32 $0x4;
	[dreg:$0x5] =	wrdreg s23  }
0x17: {  	s5 =	sadd.s32 s21, s0;
	s0 =	sadd.s32 s1, s0;
	[dreg:$0xb] =	wrdreg s25  }
0x18: {  	s19 =	simm.s32 $0x2000;
	s25 =	simm.s32 $0x3000;
	s1 =	simm.s32 $0x5000  }
0x19: {  	v2 =	vlaneseq.u32;
	s17 =	simm.s32 $0x3;
	s21 =	simm.s32 $0x6;
	[dreg:$0x4] =	wrdreg s5  }
0x1a: {  	vm0 =	vmmov $0xffff;
	v1 =	vshrl.u32 v2, $0x3;
	s23 =	simm.s32 $0x8;
	s24 =	simm.s32 $0x0;
	[dreg:$0x6] =	wrdreg s0  }
0x1b: {  	v0 =	vand.u32 $0x7, v2;
	v2 =	vor.u32 $0x8, v2;
	v1 =	vmul.u32 $0x8, v1;
	s5 =	simm.s32 $0x6800;
	s0 =	simm.s32 $0xA000;
	[dreg:$0xd] =	wrdreg s24  }
.LBB2_1:
0x1c: {  	s24 =	rddreg [dreg:$0x7]  }
0x1d: {  	[tilespmem:s3], [sflag:$0x9] =	stream.linear.gather [hbm4b:s24+s3], $0x2000, $0x38;
	[tilespmem:$0x12000] =	vst v63  }
0x1e: {  	s24 =	simm.s32 $0x9  }
0x1f: {  	_ =	swait.ge [sflag:s24], $0x2000  }
0x20: {  	[sflag:s24] =	ssyncset.done $0x0  }
0x21: {  	[sflag:s24] =	ssyncadd.s32 $0xFFFFE000  }
0x22: {  	v3 =	vld [tilespmem:$0x0];
	_ =	sdelay $0x4  }
0x23: {  	v4 =	vshll.u32 v3, $0x1  }
0x24: {  	v3 =	vand.u32 $0x7, v3;
	v4 =	vand.u32 $0xFFFFFFF0, v4  }
0x25: {  	v3 =	vor.u32 v3, v4  }
0x26: {  	v4 =	vperm.xlane v3, v0;
	_ =	sdelay $0x1  }
0x27: {  	v3 =	vperm.xlane v3, v2;
	v4 =	vadd.s32 v1, v4;
	_ =	sdelay $0x1  }
0x28: {  	v3 =	vadd.s32 v1, v3;
	_ =	sdelay $0x2  }
0x29: {  	[tilespmem:s19], [sflag:$0x1] =	stream.indirect_vreg.gather [hbm4b:s2+s3], $0x80, v4, vm0, $0xb8;
	[tilespmem:$0x12000] =	vst v63  }
0x2a: {  	_ = 	snop  }
0x2b: {  	[tilespmem:s26], [sflag:$0x1] =	stream.indirect_vreg.gather [hbm4b:s2+s3], $0x80, v3, vm0, $0xb8;
	[tilespmem:$0x12000] =	vst v63  }
0x2c: {  	v3 =	vld [tilespmem:$0x10];
	_ =	sdelay $0x4  }
0x2d: {  	v49 =	vshll.u32 v3, $0x1  }
0x2e: {  	v3 =	vand.u32 $0x7, v3;
	v4 =	vand.u32 $0xFFFFFFF0, v49  }
0x2f: {  	v3 =	vor.u32 v3, v4  }
0x30: {  	v4 =	vperm.xlane v3, v0;
	_ =	sdelay $0x1  }
0x31: {  	v3 =	vperm.xlane v3, v2;
	v4 =	vadd.s32 v1, v4;
	_ =	sdelay $0x1  }
0x32: {  	v3 =	vadd.s32 v1, v3;
	_ =	sdelay $0x2  }
0x33: {  	[tilespmem:s25], [sflag:$0x1] =	stream.indirect_vreg.gather [hbm4b:s2+s3], $0x80, v4, vm0, $0xb8;
	[tilespmem:$0x12000] =	vst v63  }
0x34: {  	_ = 	snop  }
0x35: {  	[tilespmem:s29], [sflag:$0x1] =	stream.indirect_vreg.gather [hbm4b:s2+s3], $0x80, v3, vm0, $0xb8;
	[tilespmem:$0x12000] =	vst v63  }
0x36: {  	v3 =	vld [tilespmem:$0x20];
	_ =	sdelay $0x4  }
0x37: {  	v50 =	vshll.u32 v3, $0x1  }
0x38: {  	v3 =	vand.u32 $0x7, v3;
	v4 =	vand.u32 $0xFFFFFFF0, v50  }
0x39: {  	v3 =	vor.u32 v3, v4  }
0x3a: {  	v4 =	vperm.xlane v3, v0;
	_ =	sdelay $0x1  }
0x3b: {  	v3 =	vperm.xlane v3, v2;
	v4 =	vadd.s32 v1, v4;
	_ =	sdelay $0x1  }
0x3c: {  	v3 =	vadd.s32 v1, v3;
	_ =	sdelay $0x2  }
0x3d: {  	[tilespmem:s30], [sflag:$0x1] =	stream.indirect_vreg.gather [hbm4b:s2+s3], $0x80, v4, vm0, $0xb8;
	[tilespmem:$0x12000] =	vst v63  }
0x3e: {  	_ = 	snop  }
0x3f: {  	[tilespmem:s31], [sflag:$0x1] =	stream.indirect_vreg.gather [hbm4b:s2+s3], $0x80, v3, vm0, $0xb8;
	[tilespmem:$0x12000] =	vst v63  }
0x40: {  	v3 =	vld [tilespmem:$0x30];
	_ =	sdelay $0x4  }
0x41: {  	v51 =	vshll.u32 v3, $0x1  }
0x42: {  	v3 =	vand.u32 $0x7, v3;
	v4 =	vand.u32 $0xFFFFFFF0, v51  }
0x43: {  	v3 =	vor.u32 v3, v4  }
0x44: {  	v4 =	vperm.xlane v3, v0;
	_ =	sdelay $0x1  }
0x45: {  	v3 =	vperm.xlane v3, v2;
	v4 =	vadd.s32 v1, v4;
	_ =	sdelay $0x1  }
0x46: {  	v3 =	vadd.s32 v1, v3;
	_ =	sdelay $0x2  }
0x47: {  	[tilespmem:s1], [sflag:$0x1] =	stream.indirect_vreg.gather [hbm4b:s2+s3], $0x80, v4, vm0, $0xb8;
	[tilespmem:$0x12000] =	vst v63  }
0x48: {  	_ = 	snop  }
0x49: {  	[tilespmem:s4], [sflag:$0x1] =	stream.indirect_vreg.gather [hbm4b:s2+s3], $0x80, v3, vm0, $0xb8;
	[tilespmem:$0x12000] =	vst v63  }
0x4a: {  	v3 =	vld [tilespmem:$0x80];
	_ =	sdelay $0x4  }
0x4b: {  	v52 =	vshll.u32 v3, $0x1  }
0x4c: {  	v3 =	vand.u32 $0x7, v3;
	v4 =	vand.u32 $0xFFFFFFF0, v52  }
0x4d: {  	v3 =	vor.u32 v3, v4  }
0x4e: {  	v4 =	vperm.xlane v3, v0;
	_ =	sdelay $0x1  }
0x4f: {  	v3 =	vperm.xlane v3, v2;
	v4 =	vadd.s32 v1, v4;
	_ =	sdelay $0x1  }
0x50: {  	v3 =	vadd.s32 v1, v3;
	_ =	sdelay $0x2  }
0x51: {  	[tilespmem:s28], [sflag:$0x2] =	stream.indirect_vreg.gather [hbm4b:s2+s3], $0x80, v4, vm0, $0xb8;
	[tilespmem:$0x12000] =	vst v63  }
0x52: {  	_ = 	snop  }
0x53: {  	[tilespmem:s5], [sflag:$0x2] =	stream.indirect_vreg.gather [hbm4b:s2+s3], $0x80, v3, vm0, $0xb8;
	[tilespmem:$0x12000] =	vst v63  }
0x54: {  	v3 =	vld [tilespmem:$0x90];
	_ =	sdelay $0x4  }
0x55: {  	v53 =	vshll.u32 v3, $0x1  }
0x56: {  	v3 =	vand.u32 $0x7, v3;
	v4 =	vand.u32 $0xFFFFFFF0, v53  }
0x57: {  	v3 =	vor.u32 v3, v4  }
0x58: {  	v4 =	vperm.xlane v3, v0;
	_ =	sdelay $0x1  }
0x59: {  	v3 =	vperm.xlane v3, v2;
	v4 =	vadd.s32 v1, v4;
	_ =	sdelay $0x1  }
0x5a: {  	v3 =	vadd.s32 v1, v3;
	_ =	sdelay $0x2  }
0x5b: {  	[tilespmem:s7], [sflag:$0x2] =	stream.indirect_vreg.gather [hbm4b:s2+s3], $0x80, v4, vm0, $0xb8;
	[tilespmem:$0x12000] =	vst v63  }
0x5c: {  	_ = 	snop  }
0x5d: {  	[tilespmem:s8], [sflag:$0x2] =	stream.indirect_vreg.gather [hbm4b:s2+s3], $0x80, v3, vm0, $0xb8;
	[tilespmem:$0x12000] =	vst v63  }
0x5e: {  	v3 =	vld [tilespmem:$0xA0];
	_ =	sdelay $0x4  }
0x5f: {  	v54 =	vshll.u32 v3, $0x1  }
0x60: {  	v3 =	vand.u32 $0x7, v3;
	v4 =	vand.u32 $0xFFFFFFF0, v54  }
0x61: {  	v3 =	vor.u32 v3, v4  }
0x62: {  	v4 =	vperm.xlane v3, v0;
	_ =	sdelay $0x1  }
0x63: {  	v3 =	vperm.xlane v3, v2;
	v4 =	vadd.s32 v1, v4;
	_ =	sdelay $0x1  }
0x64: {  	v3 =	vadd.s32 v1, v3;
	_ =	sdelay $0x2  }
0x65: {  	[tilespmem:s9], [sflag:$0x2] =	stream.indirect_vreg.gather [hbm4b:s2+s3], $0x80, v4, vm0, $0xb8;
	[tilespmem:$0x12000] =	vst v63  }
0x66: {  	_ = 	snop  }
0x67: {  	[tilespmem:s10], [sflag:$0x2] =	stream.indirect_vreg.gather [hbm4b:s2+s3], $0x80, v3, vm0, $0xb8;
	[tilespmem:$0x12000] =	vst v63  }
0x68: {  	v3 =	vld [tilespmem:$0xB0];
	_ =	sdelay $0x4  }
0x69: {  	v55 =	vshll.u32 v3, $0x1  }
0x6a: {  	v3 =	vand.u32 $0x7, v3;
	v4 =	vand.u32 $0xFFFFFFF0, v55  }
0x6b: {  	v3 =	vor.u32 v3, v4  }
0x6c: {  	v4 =	vperm.xlane v3, v0;
	_ =	sdelay $0x1  }
0x6d: {  	v3 =	vperm.xlane v3, v2;
	v4 =	vadd.s32 v1, v4;
	_ =	sdelay $0x1  }
0x6e: {  	v3 =	vadd.s32 v1, v3;
	_ =	sdelay $0x2  }
0x6f: {  	[tilespmem:s12], [sflag:$0x2] =	stream.indirect_vreg.gather [hbm4b:s2+s3], $0x80, v4, vm0, $0xb8;
	[tilespmem:$0x12000] =	vst v63  }
0x70: {  	_ = 	snop  }
0x71: {  	[tilespmem:s13], [sflag:$0x2] =	stream.indirect_vreg.gather [hbm4b:s2+s3], $0x80, v3, vm0, $0xb8;
	[tilespmem:$0x12000] =	vst v63  }
0x72: {  	v3 =	vld [tilespmem:$0x100];
	_ =	sdelay $0x4  }
0x73: {  	v56 =	vshll.u32 v3, $0x1  }
0x74: {  	v3 =	vand.u32 $0x7, v3;
	v4 =	vand.u32 $0xFFFFFFF0, v56  }
0x75: {  	v3 =	vor.u32 v3, v4  }
0x76: {  	v4 =	vperm.xlane v3, v0;
	_ =	sdelay $0x1  }
0x77: {  	v3 =	vperm.xlane v3, v2;
	v4 =	vadd.s32 v1, v4;
	_ =	sdelay $0x1  }
0x78: {  	v3 =	vadd.s32 v1, v3;
	_ =	sdelay $0x2  }
0x79: {  	[tilespmem:s0], [sflag:$0x3] =	stream.indirect_vreg.gather [hbm4b:s2+s3], $0x80, v4, vm0, $0xb8;
	[tilespmem:$0x12000] =	vst v63  }
0x7a: {  	_ = 	snop  }
0x7b: {  	[tilespmem:s14], [sflag:$0x3] =	stream.indirect_vreg.gather [hbm4b:s2+s3], $0x80, v3, vm0, $0xb8;
	[tilespmem:$0x12000] =	vst v63  }
0x7c: {  	v3 =	vld [tilespmem:$0x110];
	_ =	sdelay $0x4  }
0x7d: {  	v57 =	vshll.u32 v3, $0x1  }
0x7e: {  	v3 =	vand.u32 $0x7, v3;
	v4 =	vand.u32 $0xFFFFFFF0, v57  }
0x7f: {  	v3 =	vor.u32 v3, v4  }
0x80: {  	v4 =	vperm.xlane v3, v0;
	_ =	sdelay $0x1  }
0x81: {  	v3 =	vperm.xlane v3, v2;
	v4 =	vadd.s32 v1, v4;
	_ =	sdelay $0x1  }
0x82: {  	v3 =	vadd.s32 v1, v3;
	_ =	sdelay $0x2  }
0x83: {  	[tilespmem:s11], [sflag:$0x3] =	stream.indirect_vreg.gather [hbm4b:s2+s3], $0x80, v4, vm0, $0xb8;
	[tilespmem:$0x12000] =	vst v63  }
0x84: {  	s11 =	simm.s32 $0xB800  }
0x85: {  	[tilespmem:s11], [sflag:$0x3] =	stream.indirect_vreg.gather [hbm4b:s2+s3], $0x80, v3, vm0, $0xb8;
	[tilespmem:$0x12000] =	vst v63  }
0x86: {  	v3 =	vld [tilespmem:$0x120];
	_ =	sdelay $0x4  }
0x87: {  	v58 =	vshll.u32 v3, $0x1  }
0x88: {  	v3 =	vand.u32 $0x7, v3;
	v4 =	vand.u32 $0xFFFFFFF0, v58  }
0x89: {  	v3 =	vor.u32 v3, v4  }
0x8a: {  	v4 =	vperm.xlane v3, v0;
	_ =	sdelay $0x1  }
0x8b: {  	v3 =	vperm.xlane v3, v2;
	v4 =	vadd.s32 v1, v4;
	_ =	sdelay $0x1  }
0x8c: {  	v3 =	vadd.s32 v1, v3;
	_ =	sdelay $0x1  }
0x8d: {  	s12 =	simm.s32 $0xC000  }
0x8e: {  	[tilespmem:s12], [sflag:$0x3] =	stream.indirect_vreg.gather [hbm4b:s2+s3], $0x80, v4, vm0, $0xb8;
	[tilespmem:$0x12000] =	vst v63  }
0x8f: {  	s13 =	simm.s32 $0xC800  }
0x90: {  	[tilespmem:s13], [sflag:$0x3] =	stream.indirect_vreg.gather [hbm4b:s2+s3], $0x80, v3, vm0, $0xb8;
	[tilespmem:$0x12000] =	vst v63  }
0x91: {  	v3 =	vld [tilespmem:$0x130];
	_ =	sdelay $0x4  }
0x92: {  	v59 =	vshll.u32 v3, $0x1  }
0x93: {  	v3 =	vand.u32 $0x7, v3;
	v4 =	vand.u32 $0xFFFFFFF0, v59  }
0x94: {  	v3 =	vor.u32 v3, v4  }
0x95: {  	v4 =	vperm.xlane v3, v0;
	_ =	sdelay $0x1  }
0x96: {  	v3 =	vperm.xlane v3, v2;
	v4 =	vadd.s32 v1, v4;
	_ =	sdelay $0x1  }
0x97: {  	v3 =	vadd.s32 v1, v3;
	_ =	sdelay $0x1  }
0x98: {  	s14 =	simm.s32 $0xD000  }
0x99: {  	[tilespmem:s14], [sflag:$0x3] =	stream.indirect_vreg.gather [hbm4b:s2+s3], $0x80, v4, vm0, $0xb8;
	[tilespmem:$0x12000] =	vst v63  }
0x9a: {  	s19 =	simm.s32 $0xD800  }
0x9b: {  	[tilespmem:s19], [sflag:$0x3] =	stream.indirect_vreg.gather [hbm4b:s2+s3], $0x80, v3, vm0, $0xb8;
	[tilespmem:$0x12000] =	vst v63  }
0x9c: {  	v3 =	vld [tilespmem:$0x180];
	_ =	sdelay $0x4  }
0x9d: {  	v60 =	vshll.u32 v3, $0x1  }
0x9e: {  	v3 =	vand.u32 $0x7, v3;
	v4 =	vand.u32 $0xFFFFFFF0, v60  }
0x9f: {  	v3 =	vor.u32 v3, v4  }
0xa0: {  	v4 =	vperm.xlane v3, v0;
	_ =	sdelay $0x1  }
0xa1: {  	v3 =	vperm.xlane v3, v2;
	v4 =	vadd.s32 v1, v4;
	_ =	sdelay $0x1  }
0xa2: {  	v3 =	vadd.s32 v1, v3;
	_ =	sdelay $0x2  }
0xa3: {  	[tilespmem:s6], [sflag:$0x4] =	stream.indirect_vreg.gather [hbm4b:s2+s3], $0x80, v4, vm0, $0xb8;
	[tilespmem:$0x12000] =	vst v63  }
0xa4: {  	s24 =	simm.s32 $0xE800  }
0xa5: {  	[tilespmem:s24], [sflag:$0x4] =	stream.indirect_vreg.gather [hbm4b:s2+s3], $0x80, v3, vm0, $0xb8;
	[tilespmem:$0x12000] =	vst v63  }
0xa6: {  	v3 =	vld [tilespmem:$0x190];
	_ =	sdelay $0x4  }
0xa7: {  	v61 =	vshll.u32 v3, $0x1  }
0xa8: {  	v3 =	vand.u32 $0x7, v3;
	v4 =	vand.u32 $0xFFFFFFF0, v61  }
0xa9: {  	v3 =	vor.u32 v3, v4  }
0xaa: {  	v4 =	vperm.xlane v3, v0;
	_ =	sdelay $0x1  }
0xab: {  	v3 =	vperm.xlane v3, v2;
	v4 =	vadd.s32 v1, v4;
	_ =	sdelay $0x1  }
0xac: {  	v3 =	vadd.s32 v1, v3;
	_ =	sdelay $0x1  }
0xad: {  	s25 =	simm.s32 $0xF000  }
0xae: {  	[tilespmem:s25], [sflag:$0x4] =	stream.indirect_vreg.gather [hbm4b:s2+s3], $0x80, v4, vm0, $0xb8;
	[tilespmem:$0x12000] =	vst v63  }
0xaf: {  	s26 =	simm.s32 $0xF800  }
0xb0: {  	[tilespmem:s26], [sflag:$0x4] =	stream.indirect_vreg.gather [hbm4b:s2+s3], $0x80, v3, vm0, $0xb8;
	[tilespmem:$0x12000] =	vst v63  }
0xb1: {  	v3 =	vld [tilespmem:$0x1A0];
	_ =	sdelay $0x4  }
0xb2: {  	v62 =	vshll.u32 v3, $0x1  }
0xb3: {  	v3 =	vand.u32 $0x7, v3;
	v4 =	vand.u32 $0xFFFFFFF0, v62  }
0xb4: {  	v3 =	vor.u32 v3, v4  }
0xb5: {  	v4 =	vperm.xlane v3, v0;
	_ =	sdelay $0x1  }
0xb6: {  	v3 =	vperm.xlane v3, v2;
	v4 =	vadd.s32 v1, v4;
	_ =	sdelay $0x1  }
0xb7: {  	v3 =	vadd.s32 v1, v3;
	_ =	sdelay $0x1  }
0xb8: {  	s28 =	simm.s32 $0x10000  }
0xb9: {  	[tilespmem:s28], [sflag:$0x4] =	stream.indirect_vreg.gather [hbm4b:s2+s3], $0x80, v4, vm0, $0xb8;
	[tilespmem:$0x12000] =	vst v63  }
0xba: {  	s30 =	simm.s32 $0x10800  }
0xbb: {  	[tilespmem:s30], [sflag:$0x4] =	stream.indirect_vreg.gather [hbm4b:s2+s3], $0x80, v3, vm0, $0xb8;
	[tilespmem:$0x12000] =	vst v63  }
0xbc: {  	v3 =	vld [tilespmem:$0x1B0];
	_ =	sdelay $0x4  }
0xbd: {  	v63 =	vshll.u32 v3, $0x1  }
0xbe: {  	v3 =	vand.u32 $0x7, v3;
	v4 =	vand.u32 $0xFFFFFFF0, v63  }
0xbf: {  	v3 =	vor.u32 v3, v4  }
0xc0: {  	v4 =	vperm.xlane v3, v0;
	_ =	sdelay $0x1  }
0xc1: {  	v3 =	vperm.xlane v3, v2;
	v4 =	vadd.s32 v1, v4  }
0xc2: {  	s29 =	simm.s32 $0x11000;
	s31 =	simm.s32 $0x11800;
	s1 =	simm.s32 $0x5000  }
0xc3: {  	s4 =	simm.s32 $0x5800;
	s5 =	simm.s32 $0x6800;
	s7 =	simm.s32 $0x7000;
	v3 =	vadd.s32 v1, v3  }
0xc4: {  	s8 =	simm.s32 $0x7800;
	s9 =	simm.s32 $0x8000;
	s10 =	simm.s32 $0x8800  }
0xc5: {  	s11 =	simm.s32 $0xB000;
	s12 =	simm.s32 $0x9000;
	s13 =	simm.s32 $0x9800  }
0xc6: {  	[tilespmem:s29], [sflag:$0x4] =	stream.indirect_vreg.gather [hbm4b:s2+s3], $0x80, v4, vm0, $0xb8;
	[tilespmem:$0x12000] =	vst v63  }
0xc7: {  	s14 =	simm.s32 $0xA800;
	s24 =	simm.s32 $0x3B0;
	s25 =	simm.s32 $0x0  }
0xc8: {  	[tilespmem:s31], [sflag:$0x4] =	stream.indirect_vreg.gather [hbm4b:s2+s3], $0x80, v3, vm0, $0xb8;
	[tilespmem:$0x12000] =	vst v63  }
.LBB2_2:
0xc9: {  	_ =	swait.ge [sflag:s15], $0x4000  }
0xca: {  	s26 =	rddreg [dreg:$0x3];
	[sflag:s15] =	ssyncset.done $0x0  }
0xcb: {  	s28 =	simm.s32 $0x2000;
	[sflag:s15] =	ssyncadd.s32 $0xFFFFC000;
	s26 =	sadd.s32 s25, s26  }
0xcc: {  	[hbm4b:s26+s3] =	stream.linear.scatter [tilespmem:s28], [sflag:$0x5], $0x4000, $0x38;
	[tilespmem:$0x12000] =	vst v63  }
0xcd: {  	_ =	swait.ge [sflag:s16], $0x4000  }
0xce: {  	s19 =	rddreg [dreg:$0x4];
	[sflag:s16] =	ssyncset.done $0x0  }
0xcf: {  	s0 =	simm.s32 $0x6000;
	[sflag:s16] =	ssyncadd.s32 $0xFFFFC000;
	s26 =	sadd.s32 s25, s19  }
0xd0: {  	[hbm4b:s26+s3] =	stream.linear.scatter [tilespmem:s0], [sflag:$0x6], $0x4000, $0x38;
	[tilespmem:$0x12000] =	vst v63  }
0xd1: {  	_ =	swait.ge [sflag:s17], $0x4000  }
0xd2: {  	s30 =	rddreg [dreg:$0x5];
	[sflag:s17] =	ssyncset.done $0x0  }
0xd3: {  	[sflag:s17] =	ssyncadd.s32 $0xFFFFC000;
	s26 =	sadd.s32 s25, s30;
	s30 =	simm.s32 $0xA000  }
0xd4: {  	[hbm4b:s26+s3] =	stream.linear.scatter [tilespmem:s30], [sflag:$0x7], $0x4000, $0x38;
	[tilespmem:$0x12000] =	vst v63  }
0xd5: {  	_ =	swait.ge [sflag:s18], $0x4000  }
0xd6: {  	s19 =	rddreg [dreg:$0x6];
	[sflag:s18] =	ssyncset.done $0x0  }
0xd7: {  	[sflag:s18] =	ssyncadd.s32 $0xFFFFC000;
	s26 =	sadd.s32 s25, s19  }
0xd8: {  	[hbm4b:s26+s3] =	stream.linear.scatter [tilespmem:s6], [sflag:$0x8], $0x4000, $0x38;
	[tilespmem:$0x12000] =	vst v63  }
0xd9: {  	_ =	swait.ge [sflag:s20], $0x4000  }
0xda: {  	[sflag:s20] =	ssyncset.done $0x0  }
0xdb: {  	[sflag:s20] =	ssyncadd.s32 $0xFFFFC000  }
0xdc: {  	v3 =	vld [tilespmem:s24+$0xFFFFFE50];
	_ =	sdelay $0x4  }
0xdd: {  	v4 =	vshll.u32 v3, $0x1  }
0xde: {  	v3 =	vand.u32 $0x7, v3;
	v4 =	vand.u32 $0xFFFFFFF0, v4  }
0xdf: {  	v3 =	vor.u32 v3, v4  }
0xe0: {  	v4 =	vperm.xlane v3, v0;
	_ =	sdelay $0x1  }
0xe1: {  	v3 =	vperm.xlane v3, v2;
	v4 =	vadd.s32 v1, v4;
	_ =	sdelay $0x1  }
0xe2: {  	v3 =	vadd.s32 v1, v3;
	_ =	sdelay $0x2  }
0xe3: {  	[tilespmem:s28], [sflag:$0x1] =	stream.indirect_vreg.gather [hbm4b:s2+s3], $0x80, v4, vm0, $0xb8;
	[tilespmem:$0x12000] =	vst v63  }
0xe4: {  	s26 =	simm.s32 $0x2800  }
0xe5: {  	[tilespmem:s26], [sflag:$0x1] =	stream.indirect_vreg.gather [hbm4b:s2+s3], $0x80, v3, vm0, $0xb8;
	[tilespmem:$0x12000] =	vst v63  }
0xe6: {  	v3 =	vld [tilespmem:s24+$0xFFFFFE60];
	_ =	sdelay $0x4  }
0xe7: {  	v49 =	vshll.u32 v3, $0x1  }
0xe8: {  	v3 =	vand.u32 $0x7, v3;
	v4 =	vand.u32 $0xFFFFFFF0, v49  }
0xe9: {  	v3 =	vor.u32 v3, v4  }
0xea: {  	v4 =	vperm.xlane v3, v0;
	_ =	sdelay $0x1  }
0xeb: {  	v3 =	vperm.xlane v3, v2;
	v4 =	vadd.s32 v1, v4;
	_ =	sdelay $0x1  }
0xec: {  	v3 =	vadd.s32 v1, v3;
	_ =	sdelay $0x1  }
0xed: {  	s28 =	simm.s32 $0x3000  }
0xee: {  	[tilespmem:s28], [sflag:$0x1] =	stream.indirect_vreg.gather [hbm4b:s2+s3], $0x80, v4, vm0, $0xb8;
	[tilespmem:$0x12000] =	vst v63  }
0xef: {  	s28 =	simm.s32 $0x3800  }
0xf0: {  	[tilespmem:s28], [sflag:$0x1] =	stream.indirect_vreg.gather [hbm4b:s2+s3], $0x80, v3, vm0, $0xb8;
	[tilespmem:$0x12000] =	vst v63  }
0xf1: {  	v3 =	vld [tilespmem:s24+$0xFFFFFE70];
	_ =	sdelay $0x4  }
0xf2: {  	v50 =	vshll.u32 v3, $0x1  }
0xf3: {  	v3 =	vand.u32 $0x7, v3;
	v4 =	vand.u32 $0xFFFFFFF0, v50  }
0xf4: {  	v3 =	vor.u32 v3, v4  }
0xf5: {  	v4 =	vperm.xlane v3, v0;
	_ =	sdelay $0x1  }
0xf6: {  	v3 =	vperm.xlane v3, v2;
	v4 =	vadd.s32 v1, v4;
	_ =	sdelay $0x1  }
0xf7: {  	v3 =	vadd.s32 v1, v3;
	_ =	sdelay $0x1  }
0xf8: {  	s28 =	simm.s32 $0x4000  }
0xf9: {  	[tilespmem:s28], [sflag:$0x1] =	stream.indirect_vreg.gather [hbm4b:s2+s3], $0x80, v4, vm0, $0xb8;
	[tilespmem:$0x12000] =	vst v63  }
0xfa: {  	s28 =	simm.s32 $0x4800  }
0xfb: {  	[tilespmem:s28], [sflag:$0x1] =	stream.indirect_vreg.gather [hbm4b:s2+s3], $0x80, v3, vm0, $0xb8;
	[tilespmem:$0x12000] =	vst v63  }
0xfc: {  	v3 =	vld [tilespmem:s24+$0xFFFFFE80];
	_ =	sdelay $0x4  }
0xfd: {  	v51 =	vshll.u32 v3, $0x1  }
0xfe: {  	v3 =	vand.u32 $0x7, v3;
	v4 =	vand.u32 $0xFFFFFFF0, v51  }
0xff: {  	v3 =	vor.u32 v3, v4  }
0x100: {  	v4 =	vperm.xlane v3, v0;
	_ =	sdelay $0x1  }
0x101: {  	v3 =	vperm.xlane v3, v2;
	v4 =	vadd.s32 v1, v4;
	_ =	sdelay $0x1  }
0x102: {  	v3 =	vadd.s32 v1, v3;
	_ =	sdelay $0x2  }
0x103: {  	[tilespmem:s1], [sflag:$0x1] =	stream.indirect_vreg.gather [hbm4b:s2+s3], $0x80, v4, vm0, $0xb8;
	[tilespmem:$0x12000] =	vst v63  }
0x104: {  	_ = 	snop  }
0x105: {  	[tilespmem:s4], [sflag:$0x1] =	stream.indirect_vreg.gather [hbm4b:s2+s3], $0x80, v3, vm0, $0xb8;
	[tilespmem:$0x12000] =	vst v63  }
0x106: {  	_ =	swait.ge [sflag:s21], $0x4000  }
0x107: {  	[sflag:s21] =	ssyncset.done $0x0  }
0x108: {  	[sflag:s21] =	ssyncadd.s32 $0xFFFFC000  }
0x109: {  	v3 =	vld [tilespmem:s24+$0xFFFFFED0];
	_ =	sdelay $0x4  }
0x10a: {  	v52 =	vshll.u32 v3, $0x1  }
0x10b: {  	v3 =	vand.u32 $0x7, v3;
	v4 =	vand.u32 $0xFFFFFFF0, v52  }
0x10c: {  	v3 =	vor.u32 v3, v4  }
0x10d: {  	v4 =	vperm.xlane v3, v0;
	_ =	sdelay $0x1  }
0x10e: {  	v3 =	vperm.xlane v3, v2;
	v4 =	vadd.s32 v1, v4;
	_ =	sdelay $0x1  }
0x10f: {  	v3 =	vadd.s32 v1, v3;
	_ =	sdelay $0x2  }
0x110: {  	[tilespmem:s0], [sflag:$0x2] =	stream.indirect_vreg.gather [hbm4b:s2+s3], $0x80, v4, vm0, $0xb8;
	[tilespmem:$0x12000] =	vst v63  }
0x111: {  	_ = 	snop  }
0x112: {  	[tilespmem:s5], [sflag:$0x2] =	stream.indirect_vreg.gather [hbm4b:s2+s3], $0x80, v3, vm0, $0xb8;
	[tilespmem:$0x12000] =	vst v63  }
0x113: {  	v3 =	vld [tilespmem:s24+$0xFFFFFEE0];
	_ =	sdelay $0x4  }
0x114: {  	v53 =	vshll.u32 v3, $0x1  }
0x115: {  	v3 =	vand.u32 $0x7, v3;
	v4 =	vand.u32 $0xFFFFFFF0, v53  }
0x116: {  	v3 =	vor.u32 v3, v4  }
0x117: {  	v4 =	vperm.xlane v3, v0;
	_ =	sdelay $0x1  }
0x118: {  	v3 =	vperm.xlane v3, v2;
	v4 =	vadd.s32 v1, v4;
	_ =	sdelay $0x1  }
0x119: {  	v3 =	vadd.s32 v1, v3;
	_ =	sdelay $0x2  }
0x11a: {  	[tilespmem:s7], [sflag:$0x2] =	stream.indirect_vreg.gather [hbm4b:s2+s3], $0x80, v4, vm0, $0xb8;
	[tilespmem:$0x12000] =	vst v63  }
0x11b: {  	_ = 	snop  }
0x11c: {  	[tilespmem:s8], [sflag:$0x2] =	stream.indirect_vreg.gather [hbm4b:s2+s3], $0x80, v3, vm0, $0xb8;
	[tilespmem:$0x12000] =	vst v63  }
0x11d: {  	v3 =	vld [tilespmem:s24+$0xFFFFFEF0];
	_ =	sdelay $0x4  }
0x11e: {  	v54 =	vshll.u32 v3, $0x1  }
0x11f: {  	v3 =	vand.u32 $0x7, v3;
	v4 =	vand.u32 $0xFFFFFFF0, v54  }
0x120: {  	v3 =	vor.u32 v3, v4  }
0x121: {  	v4 =	vperm.xlane v3, v0;
	_ =	sdelay $0x1  }
0x122: {  	v3 =	vperm.xlane v3, v2;
	v4 =	vadd.s32 v1, v4;
	_ =	sdelay $0x1  }
0x123: {  	v3 =	vadd.s32 v1, v3;
	_ =	sdelay $0x2  }
0x124: {  	[tilespmem:s9], [sflag:$0x2] =	stream.indirect_vreg.gather [hbm4b:s2+s3], $0x80, v4, vm0, $0xb8;
	[tilespmem:$0x12000] =	vst v63  }
0x125: {  	_ = 	snop  }
0x126: {  	[tilespmem:s10], [sflag:$0x2] =	stream.indirect_vreg.gather [hbm4b:s2+s3], $0x80, v3, vm0, $0xb8;
	[tilespmem:$0x12000] =	vst v63  }
0x127: {  	v3 =	vld [tilespmem:s24+$0xFFFFFF00];
	_ =	sdelay $0x4  }
0x128: {  	v55 =	vshll.u32 v3, $0x1  }
0x129: {  	v3 =	vand.u32 $0x7, v3;
	v4 =	vand.u32 $0xFFFFFFF0, v55  }
0x12a: {  	v3 =	vor.u32 v3, v4  }
0x12b: {  	v4 =	vperm.xlane v3, v0;
	_ =	sdelay $0x1  }
0x12c: {  	v3 =	vperm.xlane v3, v2;
	v4 =	vadd.s32 v1, v4;
	_ =	sdelay $0x1  }
0x12d: {  	v3 =	vadd.s32 v1, v3;
	_ =	sdelay $0x2  }
0x12e: {  	[tilespmem:s12], [sflag:$0x2] =	stream.indirect_vreg.gather [hbm4b:s2+s3], $0x80, v4, vm0, $0xb8;
	[tilespmem:$0x12000] =	vst v63  }
0x12f: {  	_ = 	snop  }
0x130: {  	[tilespmem:s13], [sflag:$0x2] =	stream.indirect_vreg.gather [hbm4b:s2+s3], $0x80, v3, vm0, $0xb8;
	[tilespmem:$0x12000] =	vst v63  }
0x131: {  	_ =	swait.ge [sflag:s22], $0x4000  }
0x132: {  	[sflag:s22] =	ssyncset.done $0x0  }
0x133: {  	[sflag:s22] =	ssyncadd.s32 $0xFFFFC000  }
0x134: {  	v3 =	vld [tilespmem:s24+$0xFFFFFF50];
	_ =	sdelay $0x4  }
0x135: {  	v56 =	vshll.u32 v3, $0x1  }
0x136: {  	v3 =	vand.u32 $0x7, v3;
	v4 =	vand.u32 $0xFFFFFFF0, v56  }
0x137: {  	v3 =	vor.u32 v3, v4  }
0x138: {  	v4 =	vperm.xlane v3, v0;
	_ =	sdelay $0x1  }
0x139: {  	v3 =	vperm.xlane v3, v2;
	v4 =	vadd.s32 v1, v4;
	_ =	sdelay $0x1  }
0x13a: {  	v3 =	vadd.s32 v1, v3;
	_ =	sdelay $0x2  }
0x13b: {  	[tilespmem:s30], [sflag:$0x3] =	stream.indirect_vreg.gather [hbm4b:s2+s3], $0x80, v4, vm0, $0xb8;
	[tilespmem:$0x12000] =	vst v63  }
0x13c: {  	_ = 	snop  }
0x13d: {  	[tilespmem:s14], [sflag:$0x3] =	stream.indirect_vreg.gather [hbm4b:s2+s3], $0x80, v3, vm0, $0xb8;
	[tilespmem:$0x12000] =	vst v63  }
0x13e: {  	v3 =	vld [tilespmem:s24+$0xFFFFFF60];
	_ =	sdelay $0x4  }
0x13f: {  	v57 =	vshll.u32 v3, $0x1  }
0x140: {  	v3 =	vand.u32 $0x7, v3;
	v4 =	vand.u32 $0xFFFFFFF0, v57  }
0x141: {  	v3 =	vor.u32 v3, v4  }
0x142: {  	v4 =	vperm.xlane v3, v0;
	_ =	sdelay $0x1  }
0x143: {  	v3 =	vperm.xlane v3, v2;
	v4 =	vadd.s32 v1, v4;
	_ =	sdelay $0x1  }
0x144: {  	v3 =	vadd.s32 v1, v3;
	_ =	sdelay $0x2  }
0x145: {  	[tilespmem:s11], [sflag:$0x3] =	stream.indirect_vreg.gather [hbm4b:s2+s3], $0x80, v4, vm0, $0xb8;
	[tilespmem:$0x12000] =	vst v63  }
0x146: {  	s30 =	simm.s32 $0xB800  }
0x147: {  	[tilespmem:s30], [sflag:$0x3] =	stream.indirect_vreg.gather [hbm4b:s2+s3], $0x80, v3, vm0, $0xb8;
	[tilespmem:$0x12000] =	vst v63  }
0x148: {  	v3 =	vld [tilespmem:s24+$0xFFFFFF70];
	_ =	sdelay $0x4  }
0x149: {  	v58 =	vshll.u32 v3, $0x1  }
0x14a: {  	v3 =	vand.u32 $0x7, v3;
	v4 =	vand.u32 $0xFFFFFFF0, v58  }
0x14b: {  	v3 =	vor.u32 v3, v4  }
0x14c: {  	v4 =	vperm.xlane v3, v0;
	_ =	sdelay $0x1  }
0x14d: {  	v3 =	vperm.xlane v3, v2;
	v4 =	vadd.s32 v1, v4;
	_ =	sdelay $0x1  }
0x14e: {  	v3 =	vadd.s32 v1, v3;
	_ =	sdelay $0x1  }
0x14f: {  	s30 =	simm.s32 $0xC000  }
0x150: {  	[tilespmem:s30], [sflag:$0x3] =	stream.indirect_vreg.gather [hbm4b:s2+s3], $0x80, v4, vm0, $0xb8;
	[tilespmem:$0x12000] =	vst v63  }
0x151: {  	s30 =	simm.s32 $0xC800  }
0x152: {  	[tilespmem:s30], [sflag:$0x3] =	stream.indirect_vreg.gather [hbm4b:s2+s3], $0x80, v3, vm0, $0xb8;
	[tilespmem:$0x12000] =	vst v63  }
0x153: {  	v3 =	vld [tilespmem:s24+$0xFFFFFF80];
	_ =	sdelay $0x4  }
0x154: {  	v59 =	vshll.u32 v3, $0x1  }
0x155: {  	v3 =	vand.u32 $0x7, v3;
	v4 =	vand.u32 $0xFFFFFFF0, v59  }
0x156: {  	v3 =	vor.u32 v3, v4  }
0x157: {  	v4 =	vperm.xlane v3, v0;
	_ =	sdelay $0x1  }
0x158: {  	v3 =	vperm.xlane v3, v2;
	v4 =	vadd.s32 v1, v4;
	_ =	sdelay $0x1  }
0x159: {  	v3 =	vadd.s32 v1, v3;
	_ =	sdelay $0x1  }
0x15a: {  	s30 =	simm.s32 $0xD000  }
0x15b: {  	[tilespmem:s30], [sflag:$0x3] =	stream.indirect_vreg.gather [hbm4b:s2+s3], $0x80, v4, vm0, $0xb8;
	[tilespmem:$0x12000] =	vst v63  }
0x15c: {  	s30 =	simm.s32 $0xD800  }
0x15d: {  	[tilespmem:s30], [sflag:$0x3] =	stream.indirect_vreg.gather [hbm4b:s2+s3], $0x80, v3, vm0, $0xb8;
	[tilespmem:$0x12000] =	vst v63  }
0x15e: {  	_ =	swait.ge [sflag:s23], $0x4000  }
0x15f: {  	[sflag:s23] =	ssyncset.done $0x0  }
0x160: {  	[sflag:s23] =	ssyncadd.s32 $0xFFFFC000  }
0x161: {  	v3 =	vld [tilespmem:s24+$0xFFFFFFD0];
	_ =	sdelay $0x4  }
0x162: {  	v60 =	vshll.u32 v3, $0x1  }
0x163: {  	v3 =	vand.u32 $0x7, v3;
	v4 =	vand.u32 $0xFFFFFFF0, v60  }
0x164: {  	v3 =	vor.u32 v3, v4  }
0x165: {  	v4 =	vperm.xlane v3, v0;
	_ =	sdelay $0x1  }
0x166: {  	v3 =	vperm.xlane v3, v2;
	v4 =	vadd.s32 v1, v4;
	_ =	sdelay $0x1  }
0x167: {  	v3 =	vadd.s32 v1, v3;
	_ =	sdelay $0x2  }
0x168: {  	[tilespmem:s6], [sflag:$0x4] =	stream.indirect_vreg.gather [hbm4b:s2+s3], $0x80, v4, vm0, $0xb8;
	[tilespmem:$0x12000] =	vst v63  }
0x169: {  	s30 =	simm.s32 $0xE800  }
0x16a: {  	[tilespmem:s30], [sflag:$0x4] =	stream.indirect_vreg.gather [hbm4b:s2+s3], $0x80, v3, vm0, $0xb8;
	[tilespmem:$0x12000] =	vst v63  }
0x16b: {  	v3 =	vld [tilespmem:s24+$0xFFFFFFE0];
	_ =	sdelay $0x4  }
0x16c: {  	v61 =	vshll.u32 v3, $0x1  }
0x16d: {  	v3 =	vand.u32 $0x7, v3;
	v4 =	vand.u32 $0xFFFFFFF0, v61  }
0x16e: {  	v3 =	vor.u32 v3, v4  }
0x16f: {  	v4 =	vperm.xlane v3, v0;
	_ =	sdelay $0x1  }
0x170: {  	v3 =	vperm.xlane v3, v2;
	v4 =	vadd.s32 v1, v4;
	_ =	sdelay $0x1  }
0x171: {  	v3 =	vadd.s32 v1, v3;
	_ =	sdelay $0x1  }
0x172: {  	s30 =	simm.s32 $0xF000  }
0x173: {  	[tilespmem:s30], [sflag:$0x4] =	stream.indirect_vreg.gather [hbm4b:s2+s3], $0x80, v4, vm0, $0xb8;
	[tilespmem:$0x12000] =	vst v63  }
0x174: {  	s30 =	simm.s32 $0xF800  }
0x175: {  	[tilespmem:s30], [sflag:$0x4] =	stream.indirect_vreg.gather [hbm4b:s2+s3], $0x80, v3, vm0, $0xb8;
	[tilespmem:$0x12000] =	vst v63  }
0x176: {  	v3 =	vld [tilespmem:s24+$0xFFFFFFF0];
	_ =	sdelay $0x4  }
0x177: {  	v62 =	vshll.u32 v3, $0x1  }
0x178: {  	v3 =	vand.u32 $0x7, v3;
	v4 =	vand.u32 $0xFFFFFFF0, v62  }
0x179: {  	v3 =	vor.u32 v3, v4  }
0x17a: {  	v4 =	vperm.xlane v3, v0;
	_ =	sdelay $0x1  }
0x17b: {  	v3 =	vperm.xlane v3, v2;
	v4 =	vadd.s32 v1, v4;
	_ =	sdelay $0x1  }
0x17c: {  	v3 =	vadd.s32 v1, v3;
	_ =	sdelay $0x1  }
0x17d: {  	s30 =	simm.s32 $0x10000  }
0x17e: {  	[tilespmem:s30], [sflag:$0x4] =	stream.indirect_vreg.gather [hbm4b:s2+s3], $0x80, v4, vm0, $0xb8;
	[tilespmem:$0x12000] =	vst v63  }
0x17f: {  	s30 =	simm.s32 $0x10800  }
0x180: {  	[tilespmem:s30], [sflag:$0x4] =	stream.indirect_vreg.gather [hbm4b:s2+s3], $0x80, v3, vm0, $0xb8;
	[tilespmem:$0x12000] =	vst v63  }
0x181: {  	v3 =	vld [tilespmem:s24+$0x0];
	_ =	sdelay $0x4  }
0x182: {  	v63 =	vshll.u32 v3, $0x1  }
0x183: {  	v3 =	vand.u32 $0x7, v3;
	v4 =	vand.u32 $0xFFFFFFF0, v63  }
0x184: {  	v3 =	vor.u32 v3, v4  }
0x185: {  	v4 =	vperm.xlane v3, v0;
	_ =	sdelay $0x1  }
0x186: {  	v3 =	vperm.xlane v3, v2;
	v4 =	vadd.s32 v1, v4;
	_ =	sdelay $0x1  }
0x187: {  	p0 =	sne.s32 s25, $0x1C000;
	v3 =	vadd.s32 v1, v3  }
.Ltmp0:
0x188: {  	_ = 	snop;
	(pc) =	sbr.rel @p0 .LBB2_2-.Ltmp0, $4  }
0x189: {  	s19 =	simm.s32 $0x2000;
	s25 =	sadd.s32 $0x2000, s25  }
0x18a: {  	[tilespmem:s29], [sflag:$0x4] =	stream.indirect_vreg.gather [hbm4b:s2+s3], $0x80, v4, vm0, $0xb8;
	[tilespmem:$0x12000] =	vst v63  }
0x18b: {  	s28 =	simm.s32 $0x6000;
	s0 =	simm.s32 $0xA000;
	s24 =	sadd.s32 $0x200, s24  }
0x18c: {  	[tilespmem:s31], [sflag:$0x4] =	stream.indirect_vreg.gather [hbm4b:s2+s3], $0x80, v3, vm0, $0xb8;
	[tilespmem:$0x12000] =	vst v63  }
0x18d: {  	_ =	swait.ge [sflag:s15], $0x4000  }
0x18e: {  	[sflag:s15] =	ssyncset.done $0x0  }
0x18f: {  	s24 =	rddreg [dreg:$0x8];
	[sflag:s15] =	ssyncadd.s32 $0xFFFFC000  }
0x190: {  	[hbm4b:s24+s3] =	stream.linear.scatter [tilespmem:s19], [sflag:$0x5], $0x4000, $0x38;
	[tilespmem:$0x12000] =	vst v63  }
0x191: {  	_ =	swait.ge [sflag:s16], $0x4000  }
0x192: {  	[sflag:s16] =	ssyncset.done $0x0  }
0x193: {  	s12 =	rddreg [dreg:$0x9];
	[sflag:s16] =	ssyncadd.s32 $0xFFFFC000  }
0x194: {  	[hbm4b:s12+s3] =	stream.linear.scatter [tilespmem:s28], [sflag:$0x6], $0x4000, $0x38;
	[tilespmem:$0x12000] =	vst v63  }
0x195: {  	_ =	swait.ge [sflag:s17], $0x4000  }
0x196: {  	[sflag:s17] =	ssyncset.done $0x0  }
0x197: {  	s13 =	rddreg [dreg:$0xa];
	[sflag:s17] =	ssyncadd.s32 $0xFFFFC000  }
0x198: {  	[hbm4b:s13+s3] =	stream.linear.scatter [tilespmem:s0], [sflag:$0x7], $0x4000, $0x38;
	[tilespmem:$0x12000] =	vst v63  }
0x199: {  	_ =	swait.ge [sflag:s18], $0x4000  }
0x19a: {  	[sflag:s18] =	ssyncset.done $0x0  }
0x19b: {  	s14 =	rddreg [dreg:$0xb];
	[sflag:s18] =	ssyncadd.s32 $0xFFFFC000  }
0x19c: {  	[hbm4b:s14+s3] =	stream.linear.scatter [tilespmem:s6], [sflag:$0x8], $0x4000, $0x38;
	[tilespmem:$0x12000] =	vst v63  }
0x19d: {  	_ =	swait.ge [sflag:s20], $0x4000  }
0x19e: {  	[sflag:s20] =	ssyncset.done $0x0  }
0x19f: {  	[sflag:s20] =	ssyncadd.s32 $0xFFFFC000  }
0x1a0: {  	_ =	swait.ge [sflag:s21], $0x4000  }
0x1a1: {  	[sflag:s21] =	ssyncset.done $0x0  }
0x1a2: {  	[sflag:s21] =	ssyncadd.s32 $0xFFFFC000  }
0x1a3: {  	_ =	swait.ge [sflag:s22], $0x4000  }
0x1a4: {  	[sflag:s22] =	ssyncset.done $0x0  }
0x1a5: {  	[sflag:s22] =	ssyncadd.s32 $0xFFFFC000  }
0x1a6: {  	_ =	swait.ge [sflag:s23], $0x4000  }
0x1a7: {  	s29 =	simm.s32 $0x3800;
	s1 =	rddreg [dreg:$0xd]  }
0x1a8: {  	s30 =	simm.s32 $0x4000;
	s25 =	rddreg [dreg:$0xc];
	s1 =	sadd.s32 $0x1, s1  }
0x1a9: {  	s31 =	simm.s32 $0x4800;
	s4 =	simm.s32 $0x5800;
	p0 =	sne.s32 s1, s25  }
.Ltmp1:
0x1aa: {  	s5 =	simm.s32 $0x6800;
	s7 =	simm.s32 $0x7000;
	(pc) =	sbr.rel @p0 .LBB2_1-.Ltmp1, $4  }
0x1ab: {  	s8 =	simm.s32 $0x7800;
	s9 =	simm.s32 $0x8000;
	s10 =	simm.s32 $0x8800  }
0x1ac: {  	s11 =	simm.s32 $0xB000;
	s12 =	simm.s32 $0x9000;
	[sflag:s23] =	ssyncset.done $0x0  }
0x1ad: {  	s13 =	simm.s32 $0x9800;
	s14 =	simm.s32 $0xA800;
	[sflag:s23] =	ssyncadd.s32 $0xFFFFC000  }
0x1ae: {  	[dreg:$0xd] =	wrdreg s1;
	s25 =	simm.s32 $0x3000;
	s1 =	simm.s32 $0x5000  }
0x1af: {  	_ =	sfence.sel $0x180000  }
0x1b0: {  	[bflag:$0x0] =	sbarrier.arrive $0xFFFF  }
0x1b1: {  	_ =	strace $0x90000047  }
0x1b2: {  	s0 =	stileid.u32;
	[bflag:$0x2] =	sbarrier.arrive $0xFFFF  }
0x1b3: {  	p0 =	sne.s32 s0, $0x0;
	s0 =	rddreg [dreg:$0x2]  }
0x1b4: {  	s0 =	sadd.s32 @!p0 $0x100000, s0  }
0x1b5: {  	[sflag:s0] =	ssyncadd.tile.s32 @!p0 $0x1;
	_ =	shalt  }
.Lfunc_end2:
_tile_overlayer_lowered:
.L_overlay_start_2:
0x1b6: {  	(tag) =	ssettag $0x2  }
0x1b7: {  	s0 =	rddreg [dreg:$0x0];
	s2 =	stileid.u32  }
0x1b8: {  	s1 =	rddreg [dreg:$0x1];
	p0 =	sne.s32 s2, $0x0  }
0x1b9: {  	s3 =	rddreg [dreg:$0x2];
	[bflag:$0x3] =	sbarrier.arrive $0xFFFF;
	s2 =	simm.s32 @!p0 $0x1C09  }
0x1ba: {  	[timem:s3], [sflag:s2] =	dma.local @!p0 [hbm:s0], s1  }
0x1bb: {  	s0 =	simm.s32 @!p0 $0x9  }
0x1bc: {  	_ =	swait.ge @!p0 [sflag:s0], s1  }
0x1bd: {  	s1 =	ssub.s32 @!p0 $0x0, s1;
	[sflag:s0] =	ssyncset.done @!p0 $0x0  }
0x1be: {  	[sflag:s0] =	ssyncadd.s32 @!p0 s1  }
0x1bf: {  	[bflag:$0x3] =	sbarrier.arrive $0xFFFF  }
0x1c0: {  	_ =	shalt  }

</sc_bundles>
